<compile_context>
chip_gen: v7x
topology: tpu7x:2x2x1
jax: 0.10.2.dev20260603
libtpu: 0.0.44.dev20260713+nightly
codegen_flags: <defaults>
</compile_context>

<pallas_src>
import functools

import jax
import jax.numpy as jnp
from jax import lax
from jax.experimental import pallas as pl
from jax.experimental.pallas import tpu as pltpu
from jax.experimental.pallas import tpu_sc as plsc

_TT = 1024
_KC = 1024


def _argmin_body(xe_ref, em_ref, ei_ref):
    k = em_ref.shape[0]
    nkc = k // _KC
    xe = xe_ref[0]
    tt = xe.shape[1]

    def step(c, carry):
        mv, mi = carry
        em = em_ref[pl.ds(c * _KC, _KC), :]
        s = jnp.dot(em, xe, preferred_element_type=jnp.float32)
        lmv = jnp.min(s, axis=0, keepdims=True)
        iota = lax.broadcasted_iota(jnp.int32, s.shape, 0) + c * _KC
        lmi = jnp.min(jnp.where(s == lmv, iota, k), axis=0, keepdims=True)
        upd = lmv < mv
        return jnp.where(upd, lmv, mv), jnp.where(upd, lmi, mi)

    init = (jnp.full((1, tt), jnp.inf, jnp.float32),
            jnp.zeros((1, tt), jnp.int32))
    _, mi = lax.fori_loop(0, nkc, step, init)
    ei_ref[...] = mi.reshape(1, 1, tt)


def _vq_argmin(enc, e):
    b, c, hw = enc.shape
    k = e.shape[0]
    nt = hw // _TT
    esq = jnp.sum(e * e, axis=1, keepdims=True)
    em = jnp.concatenate([-2.0 * e, esq], axis=1)
    ones = jnp.ones((b, 1, hw), jnp.float32)
    xe = jnp.concatenate([enc, ones], axis=1)
    out = pl.pallas_call(
        _argmin_body,
        grid=(b, nt),
        in_specs=[
            pl.BlockSpec((1, c + 1, _TT), lambda i, j: (i, 0, j)),
            pl.BlockSpec((k, c + 1), lambda i, j: (0, 0)),
        ],
        out_specs=pl.BlockSpec((1, 1, _TT), lambda i, j: (i * nt + j, 0, 0)),
        out_shape=jax.ShapeDtypeStruct((b * nt, 1, _TT), jnp.int32),
    )(xe, em)
    return out.reshape(b * hw)


def _sc_gather(table, idx):
    info = plsc.get_sparse_core_info()
    nc, ns = info.num_cores, info.num_subcores
    nw = nc * ns
    b = idx.shape[0]
    d = table.shape[1]
    bpw = b // nw

    mesh = plsc.VectorSubcoreMesh(core_axis_name="c", subcore_axis_name="s")

    @functools.partial(
        pl.kernel,
        mesh=mesh,
        out_type=jax.ShapeDtypeStruct((b, d), jnp.float32),
        compiler_params=pltpu.CompilerParams(use_tc_tiling_on_sc=False),
        scratch_types=[
            pltpu.VMEM((bpw,), jnp.int32),
            pltpu.VMEM((bpw, d), jnp.float32),
            pltpu.SemaphoreType.DMA,
        ],
    )
    def gk(table_hbm, idx_hbm, out_hbm, idx_v, rows_v, sem):
        wid = lax.axis_index("s") * nc + lax.axis_index("c")
        base = wid * bpw
        pltpu.sync_copy(idx_hbm.at[pl.ds(base, bpw)], idx_v)
        pltpu.async_copy(table_hbm.at[idx_v], rows_v, sem).wait()
        pltpu.sync_copy(rows_v, out_hbm.at[pl.ds(base, bpw)])

    return gk(table, idx)



_ROWG = {0: ((0,), (1, 2)), 1: ((0, 1), (2,))}
_COLG = {0: ((0,), (1, 2)), 1: ((0, 1), (2,))}


def _phase_weights(w):
    ph = []
    for a in (0, 1):
        row = []
        for b in (0, 1):
            blocks = []
            for u in (0, 1):
                for v in (0, 1):
                    t = sum(w[:, :, kh, kw]
                            for kh in _ROWG[a][u] for kw in _COLG[b][v])
                    blocks.append(t)
            row.append(jnp.concatenate(blocks, axis=1))
        ph.append(jnp.stack(row))
    return jnp.stack(ph)


def _up_conv_body(act, xm_ref, x0_ref, xp_ref, w_ref, b_ref, out_ref):
    ci, w = x0_ref.shape[2], x0_ref.shape[3]
    i = pl.program_id(1)
    h = pl.num_programs(1)
    xm = xm_ref[0, 0] * jnp.where(i > 0, 1.0, 0.0)
    x0 = x0_ref[0, 0]
    xp = xp_ref[0, 0] * jnp.where(i < h - 1, 1.0, 0.0)
    zc = jnp.zeros((ci, 1), jnp.float32)

    def shl(x):
        return jnp.concatenate([zc, x[:, :-1]], axis=1)

    def shr(x):
        return jnp.concatenate([x[:, 1:], zc], axis=1)

    bias = b_ref[...]
    rows = ((xm, x0), (x0, xp))
    for a in (0, 1):
        u0, u1 = rows[a]
        ys = []
        for b in (0, 1):
            if b == 0:
                xs = jnp.concatenate([shl(u0), u0, shl(u1), u1], axis=0)
            else:
                xs = jnp.concatenate([u0, shr(u0), u1, shr(u1)], axis=0)
            ys.append(jnp.dot(w_ref[a, b], xs,
                              preferred_element_type=jnp.float32))
        co = ys[0].shape[0]
        q = lax.broadcasted_iota(jnp.int32, (co, 128), 1)
        perm = (q >> 1) + (q & 1) * 64
        chunks = []
        for kk in range(w // 64):
            cc = jnp.concatenate(
                [ys[0][:, 64 * kk:64 * (kk + 1)],
                 ys[1][:, 64 * kk:64 * (kk + 1)]], axis=1)
            chunks.append(jnp.take_along_axis(cc, perm, axis=1))
        row = jnp.concatenate(chunks, axis=1) + bias
        out_ref[0, a] = act(row)


def _up_conv(x, wc, bc, act):
    bsz, h, c, w = x.shape
    co = wc.shape[0]
    wst = _phase_weights(wc)
    body = functools.partial(_up_conv_body, act)
    return pl.pallas_call(
        body,
        grid=(bsz, h),
        in_specs=[
            pl.BlockSpec((1, 1, c, w), lambda n, i: (n, jnp.maximum(i - 1, 0), 0, 0)),
            pl.BlockSpec((1, 1, c, w), lambda n, i: (n, i, 0, 0)),
            pl.BlockSpec((1, 1, c, w),
                         lambda n, i: (n, jnp.minimum(i + 1, h - 1), 0, 0)),
            pl.BlockSpec((2, 2, co, 4 * c), lambda n, i: (0, 0, 0, 0)),
            pl.BlockSpec((co, 1), lambda n, i: (0, 0)),
        ],
        out_specs=pl.BlockSpec((1, 2, co, 2 * w), lambda n, i: (n, i, 0, 0)),
        out_shape=jax.ShapeDtypeStruct((bsz, 2 * h, co, 2 * w), jnp.float32),
    )(x, x, x, wst, bc.reshape(co, 1))




def _down_weights(w):
    return jnp.stack([
        jnp.concatenate([w[:, :, u, v] for v in range(4)], axis=1)
        for u in range(4)])


def _down_conv_body(act, x0_ref, x1_ref, x2_ref, x3_ref, w_ref, b_ref,
                    out_ref):
    ci, w = x0_ref.shape[2], x0_ref.shape[3]
    wo = w // 2
    i = pl.program_id(1)
    h = pl.num_programs(1)
    bias = b_ref[...]
    rows = [x0_ref[0, 0] * jnp.where(i > 0, 1.0, 0.0),
            x1_ref[0, 0], x2_ref[0, 0],
            x3_ref[0, 0] * jnp.where(i < h - 1, 1.0, 0.0)]
    zc = jnp.zeros((ci, 1), jnp.float32)
    q = lax.broadcasted_iota(jnp.int32, (ci, 128), 1)
    perm = (q % 64) * 2 + (q >= 64).astype(jnp.int32)
    acc = bias
    for u in range(4):
        x = rows[u]
        if w >= 128:
            parts = [jnp.take_along_axis(x[:, 128 * k:128 * (k + 1)], perm,
                                         axis=1) for k in range(w // 128)]
            xe = jnp.concatenate([p[:, :64] for p in parts], axis=1)
            xo = jnp.concatenate([p[:, 64:] for p in parts], axis=1)
        else:
            qq = lax.broadcasted_iota(jnp.int32, (ci, w), 1)
            pp = (qq % (w // 2)) * 2 + (qq >= w // 2).astype(jnp.int32)
            d = jnp.take_along_axis(x, pp, axis=1)
            xe, xo = d[:, :wo], d[:, wo:]
        xs = jnp.concatenate(
            [jnp.concatenate([zc, xo[:, :-1]], axis=1), xe, xo,
             jnp.concatenate([xe[:, 1:], zc], axis=1)], axis=0)
        acc = acc + jnp.dot(w_ref[u], xs, preferred_element_type=jnp.float32)
    out_ref[0, 0] = act(acc)


def _down_conv(x, wc, bc, act):
    bsz, h, c, w = x.shape
    co = wc.shape[0]
    wst = _down_weights(wc)
    body = functools.partial(_down_conv_body, act)
    return pl.pallas_call(
        body,
        grid=(bsz, h // 2),
        in_specs=[
            pl.BlockSpec((1, 1, c, w),
                         lambda n, i: (n, jnp.maximum(2 * i - 1, 0), 0, 0)),
            pl.BlockSpec((1, 1, c, w), lambda n, i: (n, 2 * i, 0, 0)),
            pl.BlockSpec((1, 1, c, w), lambda n, i: (n, 2 * i + 1, 0, 0)),
            pl.BlockSpec((1, 1, c, w),
                         lambda n, i: (n, jnp.minimum(2 * i + 2, h - 1), 0, 0)),
            pl.BlockSpec((4, co, 4 * c), lambda n, i: (0, 0, 0)),
            pl.BlockSpec((co, 1), lambda n, i: (0, 0)),
        ],
        out_specs=pl.BlockSpec((1, 1, co, w // 2), lambda n, i: (n, i, 0, 0)),
        out_shape=jax.ShapeDtypeStruct((bsz, h // 2, co, w // 2), jnp.float32),
    )(x, x, x, x, wst, bc.reshape(co, 1))


def _conv(x, w, b, stride, pad):
    x = jnp.pad(x, ((0, 0), (0, 0), (pad, pad), (pad, pad)))
    y = lax.conv_general_dilated(x, w, (stride, stride), 'VALID',
                                 dimension_numbers=('NCHW', 'OIHW', 'NCHW'))
    return y + b[None, :, None, None]


def kernel(x, ew1, eb1, ew2, eb2, ew3, eb3, dw1, db1, dw2, db2, dw3, db3, E):
    h = jax.nn.relu(_conv(x, ew1, eb1, 2, 1))
    h = jax.nn.relu(_conv(h, ew2, eb2, 2, 1))
    enc = _conv(h, ew3, eb3, 2, 1)
    b, c, hh, ww = enc.shape
    ei = _vq_argmin(enc.reshape(b, c, hh * ww), E)
    zq = _sc_gather(E, ei)
    dec_in = jnp.transpose(zq.reshape(b, c, hh, ww), (0, 2, 1, 3))
    g = _up_conv(dec_in, dw1, db1, jax.nn.relu)
    g = _up_conv(g, dw2, db2, jax.nn.relu)
    g = _up_conv(g, dw3, db3, jax.nn.sigmoid)
    return jnp.transpose(g, (0, 2, 1, 3))

# --- scband reference (transcript-rebuilt; emitter-appended) ---
"""Pipeline reference for scband-vq-vae-88270167867709 (READ-ONLY COPY).

The authoritative reference and input builder live on the scoring server;
editing this copy changes nothing except your own understanding.
"""

import jax, jax.numpy as jnp
import numpy as np

K = 8192
D = 32

def conv2d(x, W, b, stride, pad):
    x = jnp.pad(x, ((0, 0), (0, 0), (pad, pad), (pad, pad)))
    y = jax.lax.conv_general_dilated(x, W, (stride, stride), 'VALID', dimension_numbers=('NCHW', 'OIHW', 'NCHW'))
    return y + b[None, :, None, None]

def upsample2(x):
    return jnp.repeat(jnp.repeat(x, 2, axis=2), 2, axis=3)

def setup_inputs(seed: int = 0):
    key = jax.random.key(seed)
    ks = jax.random.split(key, 16)
    def w(k, shape, fan_in):
        bound = 1.0 / np.sqrt(fan_in)
        return jax.random.uniform(k, shape, jnp.float32, -bound, bound)
    inp = {}
    inp['x'] = jax.random.uniform(ks[0], (2, 3, 512, 512), jnp.float32)
    inp['ew1'] = w(ks[1], (32, 3, 4, 4), 3 * 16)
    inp['eb1'] = w(ks[2], (32,), 3 * 16)
    inp['ew2'] = w(ks[3], (32, 32, 4, 4), 32 * 16)
    inp['eb2'] = w(ks[4], (32,), 32 * 16)
    inp['ew3'] = w(ks[5], (32, 32, 4, 4), 32 * 16)
    inp['eb3'] = w(ks[6], (32,), 32 * 16)
    inp['dw1'] = w(ks[7], (32, 32, 3, 3), 32 * 9)
    inp['db1'] = w(ks[8], (32,), 32 * 9)
    inp['dw2'] = w(ks[9], (32, 32, 3, 3), 32 * 9)
    inp['db2'] = w(ks[10], (32,), 32 * 9)
    inp['dw3'] = w(ks[11], (3, 32, 3, 3), 32 * 9)
    inp['db3'] = w(ks[12], (3,), 32 * 9)
    inp['E'] = jax.random.uniform(ks[13], (K, D), jnp.float32, -1.0 / K, 1.0 / K)
    return inp

def reference(x, ew1, eb1, ew2, eb2, ew3, eb3, dw1, db1, dw2, db2, dw3, db3, E):
    h = jax.nn.relu(conv2d(x, ew1, eb1, 2, 1))
    h = jax.nn.relu(conv2d(h, ew2, eb2, 2, 1))
    enc = conv2d(h, ew3, eb3, 2, 1)
    B, C, H, W = enc.shape
    N = B * H * W
    Ze = jnp.transpose(enc, (0, 2, 3, 1)).reshape(N, C)
    dist = jnp.sum(Ze ** 2, axis=1, keepdims=True) + jnp.sum(E ** 2, axis=1) - 2.0 * (Ze @ E.T)
    EI = jnp.argmin(dist, axis=1)
    OEI = jnp.zeros((N, E.shape[0]), jnp.float32).at[jnp.arange(N), EI].set(1.0)
    Zq = OEI @ E
    # Faithful to torch: Zq_mat.view(encoder_output.shape) reinterprets the
    # (N, C) buffer directly as (B, C, H, W) WITHOUT permuting back.
    dec_in = Zq.reshape(B, C, H, W)
    vq_loss = jnp.mean((jax.lax.stop_gradient(enc) - dec_in) ** 2)
    commit = jnp.mean((enc - jax.lax.stop_gradient(dec_in)) ** 2)
    _total_loss = vq_loss + 0.25 * commit
    dec_in = enc + jax.lax.stop_gradient(dec_in - enc)
    g = upsample2(dec_in)
    g = jax.nn.relu(conv2d(g, dw1, db1, 1, 1))
    g = upsample2(g)
    g = jax.nn.relu(conv2d(g, dw2, db2, 1, 1))
    g = upsample2(g)
    g = conv2d(g, dw3, db3, 1, 1)
    return jax.nn.sigmoid(g)

if __name__ == "__main__":
    import jax
    _d = setup_inputs()
    print(jax.jit(kernel)(*tuple(_d.values())))

</pallas_src>

<mosaic_0001>
#map = affine_map<(d0, d1) -> (0, 0)>
#map1 = affine_map<(d0, d1) -> (0)>
module attributes {stable_mosaic.version = 14 : i64} {
  func.func @gk(%arg0: i32, %arg1: i32, %arg2: memref<8192x32xf32, #tpu.memory_space<hbm>>, %arg3: memref<8192xi32, #tpu.memory_space<hbm>>, %arg4: memref<8192x32xf32, #tpu.memory_space<hbm>>, %arg5: memref<256xi32, #tpu.memory_space<vmem>>, %arg6: memref<256x32xf32, #tpu.memory_space<vmem>>, %arg7: memref<!tpu.dma_semaphore, #tpu.memory_space<semaphore_mem>>) attributes {dimension_semantics = [#tpu.dimension_semantics<core_parallel>, #tpu.dimension_semantics<subcore_parallel>], iteration_bounds = array<i64: 2, 16>, scalar_prefetch = 0 : i64, scratch_operands = 3 : i64, tpu.core_type = #tpu.core_type<sc_vector_subcore>, window_params = [{transform_indices = #map}, {transform_indices = #map1}, {transform_indices = #map}]} {
    %mul3A = arith.constant 2 : i32
    %mul3A_0 = arith.muli %arg1, %mul3A : i32
    %add3A = arith.addi %mul3A_0, %arg0 : i32
    %mul3A_1 = arith.constant 256 : i32
    %mul3A_2 = arith.muli %add3A, %mul3A_1 : i32
    "tpu.region"() ({
      %run_scoped3A = tpu.sem_alloc : memref<!tpu.dma_semaphore, #tpu.memory_space<semaphore_mem>>
      %dma_start3A_7 = tpu.memref_slice %arg3[%mul3A_2] : memref<8192xi32, #tpu.memory_space<hbm>> -> memref<256xi32, #tpu.memory_space<hbm>>
      %dma_start3A_8 = tpu.memref_slice %arg3[%mul3A_2] : memref<8192xi32, #tpu.memory_space<hbm>> -> memref<256xi32, #tpu.memory_space<hbm>>
      tpu.enqueue_dma source(%dma_start3A_8 : memref<256xi32, #tpu.memory_space<hbm>>) target(%arg5 : memref<256xi32, #tpu.memory_space<vmem>>) target_semaphore(%run_scoped3A : memref<!tpu.dma_semaphore, #tpu.memory_space<semaphore_mem>>)
      %dma_wait3A_9 = tpu.memref_slice %arg3[%mul3A_2] : memref<8192xi32, #tpu.memory_space<hbm>> -> memref<256xi32, #tpu.memory_space<hbm>>
      %dma_wait3A_10 = tpu.memref_slice %arg3[%mul3A_2] : memref<8192xi32, #tpu.memory_space<hbm>> -> memref<256xi32, #tpu.memory_space<hbm>>
      tpu.wait_dma2 semaphore(%run_scoped3A : memref<!tpu.dma_semaphore, #tpu.memory_space<semaphore_mem>>) src(%dma_wait3A_10 : memref<256xi32, #tpu.memory_space<hbm>>) dst(%arg5 : memref<256xi32, #tpu.memory_space<vmem>>)
      tpu.yield
    }) : () -> ()
    %dma_start3A = arith.constant 0 : i32
    %dma_start3A_3 = arith.constant 0 : i32
    %dma_start3A_4 = tpu.memref_slice %arg2[%dma_start3A, %dma_start3A_3] : memref<8192x32xf32, #tpu.memory_space<hbm>> -> memref<8192x32xf32, #tpu.memory_space<hbm>>
    tpu.enqueue_indirect_dma source(%dma_start3A_4 : memref<8192x32xf32, #tpu.memory_space<hbm>>) target(%arg6 : memref<256x32xf32, #tpu.memory_space<vmem>>) offsets(%arg5 : memref<256xi32, #tpu.memory_space<vmem>>) semaphore(%arg7 : memref<!tpu.dma_semaphore, #tpu.memory_space<semaphore_mem>>)
    %dma_wait3A = arith.constant 0 : i32
    %dma_wait3A_5 = arith.constant 0 : i32
    %dma_wait3A_6 = tpu.memref_slice %arg2[%dma_wait3A, %dma_wait3A_5] : memref<8192x32xf32, #tpu.memory_space<hbm>> -> memref<8192x32xf32, #tpu.memory_space<hbm>>
    tpu.wait_indirect_dma semaphore(%arg7 : memref<!tpu.dma_semaphore, #tpu.memory_space<semaphore_mem>>) src(%dma_wait3A_6 : memref<8192x32xf32, #tpu.memory_space<hbm>>) dst(%arg6 : memref<256x32xf32, #tpu.memory_space<vmem>>)
    "tpu.region"() ({
      %run_scoped3A = tpu.sem_alloc : memref<!tpu.dma_semaphore, #tpu.memory_space<semaphore_mem>>
      %dma_start3A_7 = arith.constant 0 : i32
      %dma_start3A_8 = tpu.memref_slice %arg4[%mul3A_2, %dma_start3A_7] : memref<8192x32xf32, #tpu.memory_space<hbm>> -> memref<256x32xf32, #tpu.memory_space<hbm>>
      %dma_start3A_9 = arith.constant 0 : i32
      %dma_start3A_10 = tpu.memref_slice %arg4[%mul3A_2, %dma_start3A_9] : memref<8192x32xf32, #tpu.memory_space<hbm>> -> memref<256x32xf32, #tpu.memory_space<hbm>>
      tpu.enqueue_dma source(%arg6 : memref<256x32xf32, #tpu.memory_space<vmem>>) target(%dma_start3A_10 : memref<256x32xf32, #tpu.memory_space<hbm>>) target_semaphore(%run_scoped3A : memref<!tpu.dma_semaphore, #tpu.memory_space<semaphore_mem>>)
      %dma_wait3A_11 = arith.constant 0 : i32
      %dma_wait3A_12 = tpu.memref_slice %arg4[%mul3A_2, %dma_wait3A_11] : memref<8192x32xf32, #tpu.memory_space<hbm>> -> memref<256x32xf32, #tpu.memory_space<hbm>>
      %dma_wait3A_13 = arith.constant 0 : i32
      %dma_wait3A_14 = tpu.memref_slice %arg4[%mul3A_2, %dma_wait3A_13] : memref<8192x32xf32, #tpu.memory_space<hbm>> -> memref<256x32xf32, #tpu.memory_space<hbm>>
      tpu.wait_dma2 semaphore(%run_scoped3A : memref<!tpu.dma_semaphore, #tpu.memory_space<semaphore_mem>>) src(%arg6 : memref<256x32xf32, #tpu.memory_space<vmem>>) dst(%dma_wait3A_14 : memref<256x32xf32, #tpu.memory_space<hbm>>)
      tpu.yield
    }) : () -> ()
    return
  }
}

module attributes {stable_mosaic.version = 14 : i64} {
  func.func @_argmin_body(%arg0: i32, %arg1: i32, %arg2: memref<1x33x1024xf32, #tpu.memory_space<vmem>>, %arg3: memref<8192x33xf32, #tpu.memory_space<vmem>>, %arg4: memref<1x1x1024xi32, #tpu.memory_space<vmem>>) attributes {dimension_semantics = [#tpu.dimension_semantics<arbitrary>, #tpu.dimension_semantics<arbitrary>], iteration_bounds = array<i64: 2, 4>, scalar_prefetch = 0 : i64, scratch_operands = 0 : i64, tpu.core_type = #tpu.core_type<tc>, window_params = [{transform_indices = @transform_0, window_bounds = array<i64: 1, 33, 1024>}, {pipeline_mode = #tpu.pipeline_mode<synchronous>, transform_indices = @transform_1, window_bounds = array<i64: 8192, 33>}, {transform_indices = @transform_2, window_bounds = array<i64: 1, 1, 1024>}]} {
    %get3A = arith.constant 0 : index
    %get3A_0 = arith.constant 0 : index
    %get3A_1 = arith.constant 0 : index
    %get3A_2 = vector.load %arg2[%get3A, %get3A_0, %get3A_1] : memref<1x33x1024xf32, #tpu.memory_space<vmem>>, vector<1x33x1024xf32>
    %get3A_3 = vector.shape_cast %get3A_2 : vector<1x33x1024xf32> to vector<33x1024xf32>
    %broadcast_in_dim3A = arith.constant 0x7F800000 : f32
    %broadcast_in_dim3A_4 = vector.broadcast %broadcast_in_dim3A : f32 to vector<1x1024xf32>
    %broadcast_in_dim3A_5 = arith.constant 0 : i32
    %broadcast_in_dim3A_6 = vector.broadcast %broadcast_in_dim3A_5 : i32 to vector<1x1024xi32>
    %scan3A = arith.constant 0 : i32
    %scan3A_7 = arith.constant 8 : i32
    %scan3A_8 = arith.addi %scan3A, %scan3A_7 : i32
    %scan3A_9 = arith.constant 1 : i32
    %scan3A_10:2 = scf.for %scan3A_15 = %scan3A to %scan3A_8 step %scan3A_9 iter_args(%scan3A_16 = %broadcast_in_dim3A_4, %scan3A_17 = %broadcast_in_dim3A_6) -> (vector<1x1024xf32>, vector<1x1024xi32>)  : i32 {
      %mul3A = arith.constant 1024 : i32
      %mul3A_18 = arith.muli %scan3A_15, %mul3A : i32
      %get3A_19 = arith.index_cast %mul3A_18 : i32 to index
      %get3A_20 = arith.constant 0 : index
      %get3A_21 = vector.load %arg3[%get3A_19, %get3A_20] : memref<8192x33xf32, #tpu.memory_space<vmem>>, vector<1024x33xf32>
      %dot_general3A = arith.constant dense<0.000000e+00> : vector<1024x1024xf32>
      %dot_general3A_22 = tpu.matmul %get3A_21, %get3A_3, %dot_general3A {dimension_numbers = #tpu.dot_dimension_numbers<[1], [0], [0], [1], [0, 0, 1, 1], [], []>, transpose_lhs_hint = false} : vector<1024x33xf32>, vector<33x1024xf32>, vector<1024x1024xf32> -> vector<1024x1024xf32>
      %reduce_min3A = arith.constant dense<0x7F800000> : vector<1024xf32>
      %reduce_min3A_23 = vector.multi_reduction <minimumf>, %dot_general3A_22, %reduce_min3A [0] : vector<1024x1024xf32> to vector<1024xf32>
      %broadcast_in_dim3A_24 = vector.shape_cast %reduce_min3A_23 : vector<1024xf32> to vector<1x1024xf32>
      %iota3A = tpu.iota {dimensions = array<i32: 0>} : vector<1024x1024xi32>
      %mul3A_25 = arith.constant 1024 : i32
      %mul3A_26 = arith.muli %scan3A_15, %mul3A_25 : i32
      %add3A = vector.broadcast %mul3A_26 : i32 to vector<1024x1024xi32>
      %add3A_27 = arith.addi %iota3A, %add3A : vector<1024x1024xi32>
      %eq3A = vector.broadcast %broadcast_in_dim3A_24 : vector<1x1024xf32> to vector<1024x1024xf32>
      %eq3A_28 = arith.cmpf oeq, %dot_general3A_22, %eq3A : vector<1024x1024xf32>
      %jit3A = arith.constant 8192 : i32
      %broadcast_in_dim3A_29 = vector.broadcast %jit3A : i32 to vector<1024x1024xi32>
      %select_n3A = arith.select %eq3A_28, %add3A_27, %broadcast_in_dim3A_29 : vector<1024x1024xi1>, vector<1024x1024xi32>
      %reduce_min3A_30 = arith.constant dense<2147483647> : vector<1024xi32>
      %reduce_min3A_31 = vector.multi_reduction <minsi>, %select_n3A, %reduce_min3A_30 [0] : vector<1024x1024xi32> to vector<1024xi32>
      %broadcast_in_dim3A_32 = vector.shape_cast %reduce_min3A_31 : vector<1024xi32> to vector<1x1024xi32>
      %lt3A = arith.cmpf olt, %broadcast_in_dim3A_24, %scan3A_16 : vector<1x1024xf32>
      %select_n3A_33 = arith.select %lt3A, %broadcast_in_dim3A_24, %scan3A_16 : vector<1x1024xi1>, vector<1x1024xf32>
      %select_n3A_34 = arith.select %lt3A, %broadcast_in_dim3A_32, %scan3A_17 : vector<1x1024xi1>, vector<1x1024xi32>
      scf.yield %select_n3A_33, %select_n3A_34 : vector<1x1024xf32>, vector<1x1024xi32>
    }
    %scan3A_11 = arith.constant 8 : i32
    %reshape3A = vector.shape_cast %scan3A_10#1 : vector<1x1024xi32> to vector<1x1x1024xi32>
    %swap3A = arith.constant 0 : index
    %swap3A_12 = arith.constant 0 : index
    %swap3A_13 = arith.constant 0 : index
    %swap3A_14 = vector.load %arg4[%swap3A, %swap3A_12, %swap3A_13] : memref<1x1x1024xi32, #tpu.memory_space<vmem>>, vector<1x1x1024xi32>
    tpu.vector_store %arg4[%swap3A, %swap3A_12, %swap3A_13], %reshape3A {strides = array<i32>} : memref<1x1x1024xi32, #tpu.memory_space<vmem>>, vector<1x1x1024xi32>,
    return
  }
  func.func @transform_0(%arg0: i32, %arg1: i32) -> (i32, i32, i32) {
    %c0_i32 = arith.constant 0 : i32
    %c0_i32_0 = arith.constant 0 : i32
    return %arg0, %c0_i32, %arg1 : i32, i32, i32
  }
  func.func @transform_1(%arg0: i32, %arg1: i32) -> (i32, i32) {
    %c0_i32 = arith.constant 0 : i32
    %c0_i32_0 = arith.constant 0 : i32
    %c0_i32_1 = arith.constant 0 : i32
    return %c0_i32, %c0_i32_0 : i32, i32
  }
  func.func @transform_2(%arg0: i32, %arg1: i32) -> (i32, i32, i32) {
    %mul3A = arith.constant 4 : i32
    %mul3A_0 = arith.muli %arg0, %mul3A : i32
    %add3A = arith.addi %mul3A_0, %arg1 : i32
    %c0_i32 = arith.constant 0 : i32
    %c0_i32_1 = arith.constant 0 : i32
    %c0_i32_2 = arith.constant 0 : i32
    return %add3A, %c0_i32, %c0_i32_1 : i32, i32, i32
  }
}

module attributes {stable_mosaic.version = 14 : i64} {
  func.func @_up_conv_body(%arg0: i32, %arg1: i32, %arg2: memref<1x1x32x64xf32, #tpu.memory_space<vmem>>, %arg3: memref<1x1x32x64xf32, #tpu.memory_space<vmem>>, %arg4: memref<1x1x32x64xf32, #tpu.memory_space<vmem>>, %arg5: memref<2x2x32x128xf32, #tpu.memory_space<vmem>>, %arg6: memref<32x1xf32, #tpu.memory_space<vmem>>, %arg7: memref<1x2x32x128xf32, #tpu.memory_space<vmem>>) attributes {dimension_semantics = [#tpu.dimension_semantics<arbitrary>, #tpu.dimension_semantics<arbitrary>], iteration_bounds = array<i64: 2, 64>, scalar_prefetch = 0 : i64, scratch_operands = 0 : i64, tpu.core_type = #tpu.core_type<tc>, window_params = [{transform_indices = @transform_0, window_bounds = array<i64: 1, 1, 32, 64>}, {transform_indices = @transform_1, window_bounds = array<i64: 1, 1, 32, 64>}, {transform_indices = @transform_2, window_bounds = array<i64: 1, 1, 32, 64>}, {pipeline_mode = #tpu.pipeline_mode<synchronous>, transform_indices = @transform_3, window_bounds = array<i64: 2, 2, 32, 128>}, {pipeline_mode = #tpu.pipeline_mode<synchronous>, transform_indices = @transform_4, window_bounds = array<i64: 32, 1>}, {transform_indices = @transform_5, window_bounds = array<i64: 1, 2, 32, 128>}]} {
    %get3A = arith.constant 0 : index
    %get3A_0 = arith.constant 0 : index
    %get3A_1 = arith.constant 0 : index
    %get3A_2 = arith.constant 0 : index
    %get3A_3 = vector.load %arg2[%get3A, %get3A_0, %get3A_1, %get3A_2] : memref<1x1x32x64xf32, #tpu.memory_space<vmem>>, vector<1x1x32x64xf32>
    %get3A_4 = vector.shape_cast %get3A_3 : vector<1x1x32x64xf32> to vector<32x64xf32>
    %gt3A = arith.constant 0 : i32
    %gt3A_5 = arith.cmpi sgt, %arg1, %gt3A : i32
    %jit3A = arith.constant 1.000000e+00 : f32
    %jit3A_6 = arith.constant 0.000000e+00 : f32
    %select_n3A = arith.select %gt3A_5, %jit3A, %jit3A_6 : f32
    %mul3A = vector.broadcast %select_n3A : f32 to vector<32x64xf32>
    %mul3A_7 = arith.mulf %get3A_4, %mul3A : vector<32x64xf32>
    %get3A_8 = arith.constant 0 : index
    %get3A_9 = arith.constant 0 : index
    %get3A_10 = arith.constant 0 : index
    %get3A_11 = arith.constant 0 : index
    %get3A_12 = vector.load %arg3[%get3A_8, %get3A_9, %get3A_10, %get3A_11] : memref<1x1x32x64xf32, #tpu.memory_space<vmem>>, vector<1x1x32x64xf32>
    %get3A_13 = vector.shape_cast %get3A_12 : vector<1x1x32x64xf32> to vector<32x64xf32>
    %get3A_14 = arith.constant 0 : index
    %get3A_15 = arith.constant 0 : index
    %get3A_16 = arith.constant 0 : index
    %get3A_17 = arith.constant 0 : index
    %get3A_18 = vector.load %arg4[%get3A_14, %get3A_15, %get3A_16, %get3A_17] : memref<1x1x32x64xf32, #tpu.memory_space<vmem>>, vector<1x1x32x64xf32>
    %get3A_19 = vector.shape_cast %get3A_18 : vector<1x1x32x64xf32> to vector<32x64xf32>
    %lt3A = arith.constant 63 : i32
    %lt3A_20 = arith.cmpi slt, %arg1, %lt3A : i32
    %jit3A_21 = arith.constant 1.000000e+00 : f32
    %jit3A_22 = arith.constant 0.000000e+00 : f32
    %select_n3A_23 = arith.select %lt3A_20, %jit3A_21, %jit3A_22 : f32
    %mul3A_24 = vector.broadcast %select_n3A_23 : f32 to vector<32x64xf32>
    %mul3A_25 = arith.mulf %get3A_19, %mul3A_24 : vector<32x64xf32>
    %broadcast_in_dim3A = arith.constant 0.000000e+00 : f32
    %broadcast_in_dim3A_26 = vector.broadcast %broadcast_in_dim3A : f32 to vector<32x1xf32>
    %get3A_27 = arith.constant 0 : index
    %get3A_28 = arith.constant 0 : index
    %get3A_29 = vector.load %arg6[%get3A_27, %get3A_28] : memref<32x1xf32, #tpu.memory_space<vmem>>, vector<32x1xf32>
    %slice3A = vector.extract_strided_slice %mul3A_7 {offsets = [0, 0], sizes = [32, 63], strides = [1, 1]} : vector<32x64xf32> to vector<32x63xf32>
    %concatenate3A = tpu.concatenate %broadcast_in_dim3A_26, %slice3A in 1 : vector<32x1xf32>, vector<32x63xf32> -> vector<32x64xf32>
    %slice3A_30 = vector.extract_strided_slice %get3A_13 {offsets = [0, 0], sizes = [32, 63], strides = [1, 1]} : vector<32x64xf32> to vector<32x63xf32>
    %concatenate3A_31 = tpu.concatenate %broadcast_in_dim3A_26, %slice3A_30 in 1 : vector<32x1xf32>, vector<32x63xf32> -> vector<32x64xf32>
    %concatenate3A_32 = tpu.concatenate %concatenate3A, %mul3A_7, %concatenate3A_31, %get3A_13 in 0 : vector<32x64xf32>, vector<32x64xf32>, vector<32x64xf32>, vector<32x64xf32> -> vector<128x64xf32>
    %get3A_33 = arith.constant 0 : index
    %get3A_34 = arith.constant 0 : index
    %get3A_35 = arith.constant 0 : index
    %get3A_36 = arith.constant 0 : index
    %get3A_37 = vector.load %arg5[%get3A_33, %get3A_34, %get3A_35, %get3A_36] : memref<2x2x32x128xf32, #tpu.memory_space<vmem>>, vector<1x1x32x128xf32>
    %get3A_38 = vector.shape_cast %get3A_37 : vector<1x1x32x128xf32> to vector<32x128xf32>
    %dot_general3A = arith.constant dense<0.000000e+00> : vector<32x64xf32>
    %dot_general3A_39 = tpu.matmul %get3A_38, %concatenate3A_32, %dot_general3A {dimension_numbers = #tpu.dot_dimension_numbers<[1], [0], [0], [1], [0, 0, 1, 1], [], []>, transpose_lhs_hint = false} : vector<32x128xf32>, vector<128x64xf32>, vector<32x64xf32> -> vector<32x64xf32>
    %slice3A_40 = vector.extract_strided_slice %mul3A_7 {offsets = [0, 1], sizes = [32, 63], strides = [1, 1]} : vector<32x64xf32> to vector<32x63xf32>
    %concatenate3A_41 = tpu.concatenate %slice3A_40, %broadcast_in_dim3A_26 in 1 : vector<32x63xf32>, vector<32x1xf32> -> vector<32x64xf32>
    %slice3A_42 = vector.extract_strided_slice %get3A_13 {offsets = [0, 1], sizes = [32, 63], strides = [1, 1]} : vector<32x64xf32> to vector<32x63xf32>
    %concatenate3A_43 = tpu.concatenate %slice3A_42, %broadcast_in_dim3A_26 in 1 : vector<32x63xf32>, vector<32x1xf32> -> vector<32x64xf32>
    %concatenate3A_44 = tpu.concatenate %mul3A_7, %concatenate3A_41, %get3A_13, %concatenate3A_43 in 0 : vector<32x64xf32>, vector<32x64xf32>, vector<32x64xf32>, vector<32x64xf32> -> vector<128x64xf32>
    %get3A_45 = arith.constant 0 : index
    %get3A_46 = arith.constant 1 : index
    %get3A_47 = arith.constant 0 : index
    %get3A_48 = arith.constant 0 : index
    %get3A_49 = vector.load %arg5[%get3A_45, %get3A_46, %get3A_47, %get3A_48] : memref<2x2x32x128xf32, #tpu.memory_space<vmem>>, vector<1x1x32x128xf32>
    %get3A_50 = vector.shape_cast %get3A_49 : vector<1x1x32x128xf32> to vector<32x128xf32>
    %dot_general3A_51 = arith.constant dense<0.000000e+00> : vector<32x64xf32>
    %dot_general3A_52 = tpu.matmul %get3A_50, %concatenate3A_44, %dot_general3A_51 {dimension_numbers = #tpu.dot_dimension_numbers<[1], [0], [0], [1], [0, 0, 1, 1], [], []>, transpose_lhs_hint = false} : vector<32x128xf32>, vector<128x64xf32>, vector<32x64xf32> -> vector<32x64xf32>
    %iota3A = tpu.iota {dimensions = array<i32: 1>} : vector<32x128xi32>
    %shift_right_arithmetic3A = arith.constant 1 : i32
    %shift_right_arithmetic3A_53 = vector.broadcast %shift_right_arithmetic3A : i32 to vector<32x128xi32>
    %shift_right_arithmetic3A_54 = arith.shrsi %iota3A, %shift_right_arithmetic3A_53 : vector<32x128xi32>
    %and3A = arith.constant 1 : i32
    %and3A_55 = vector.broadcast %and3A : i32 to vector<32x128xi32>
    %and3A_56 = arith.andi %iota3A, %and3A_55 : vector<32x128xi32>
    %mul3A_57 = arith.constant 64 : i32
    %mul3A_58 = vector.broadcast %mul3A_57 : i32 to vector<32x128xi32>
    %mul3A_59 = arith.muli %and3A_56, %mul3A_58 : vector<32x128xi32>
    %add3A = arith.addi %shift_right_arithmetic3A_54, %mul3A_59 : vector<32x128xi32>
    %concatenate3A_60 = tpu.concatenate %dot_general3A_39, %dot_general3A_52 in 1 : vector<32x64xf32>, vector<32x64xf32> -> vector<32x128xf32>
    %lt3A_61 = arith.constant 0 : i32
    %lt3A_62 = vector.broadcast %lt3A_61 : i32 to vector<32x128xi32>
    %lt3A_63 = arith.cmpi slt, %add3A, %lt3A_62 : vector<32x128xi32>
    %add3A_64 = arith.constant 128 : i32
    %add3A_65 = vector.broadcast %add3A_64 : i32 to vector<32x128xi32>
    %add3A_66 = arith.addi %add3A, %add3A_65 : vector<32x128xi32>
    %select_n3A_67 = arith.select %lt3A_63, %add3A_66, %add3A : vector<32x128xi1>, vector<32x128xi32>
    %reshape3A = vector.shape_cast %select_n3A_67 : vector<32x128xi32> to vector<32x128x1xi32>
    %gather3A = vector.shape_cast %reshape3A : vector<32x128x1xi32> to vector<32x128xi32>
    %gather3A_68 = tpu.dynamic_gather %concatenate3A_60[%gather3A] in [1] : vector<32x128xf32>, vector<32x128xi32> -> vector<32x128xf32>
    %add3A_69 = vector.broadcast %get3A_29 : vector<32x1xf32> to vector<32x128xf32>
    %add3A_70 = arith.addf %gather3A_68, %add3A_69 : vector<32x128xf32>
    %max3A = arith.constant 0.000000e+00 : f32
    %max3A_71 = vector.broadcast %max3A : f32 to vector<32x128xf32>
    %max3A_72 = arith.maximumf %add3A_70, %max3A_71 : vector<32x128xf32>
    %swap3A = arith.constant 0 : index
    %swap3A_73 = arith.constant 0 : index
    %swap3A_74 = arith.constant 0 : index
    %swap3A_75 = arith.constant 0 : index
    %swap3A_76 = vector.load %arg7[%swap3A, %swap3A_73, %swap3A_74, %swap3A_75] : memref<1x2x32x128xf32, #tpu.memory_space<vmem>>, vector<1x1x32x128xf32>
    %swap3A_77 = vector.shape_cast %swap3A_76 : vector<1x1x32x128xf32> to vector<32x128xf32>
    %swap3A_78 = vector.shape_cast %max3A_72 : vector<32x128xf32> to vector<1x1x32x128xf32>
    tpu.vector_store %arg7[%swap3A, %swap3A_73, %swap3A_74, %swap3A_75], %swap3A_78 {strides = array<i32>} : memref<1x2x32x128xf32, #tpu.memory_space<vmem>>, vector<1x1x32x128xf32>,
    %slice3A_79 = vector.extract_strided_slice %get3A_13 {offsets = [0, 0], sizes = [32, 63], strides = [1, 1]} : vector<32x64xf32> to vector<32x63xf32>
    %concatenate3A_80 = tpu.concatenate %broadcast_in_dim3A_26, %slice3A_79 in 1 : vector<32x1xf32>, vector<32x63xf32> -> vector<32x64xf32>
    %slice3A_81 = vector.extract_strided_slice %mul3A_25 {offsets = [0, 0], sizes = [32, 63], strides = [1, 1]} : vector<32x64xf32> to vector<32x63xf32>
    %concatenate3A_82 = tpu.concatenate %broadcast_in_dim3A_26, %slice3A_81 in 1 : vector<32x1xf32>, vector<32x63xf32> -> vector<32x64xf32>
    %concatenate3A_83 = tpu.concatenate %concatenate3A_80, %get3A_13, %concatenate3A_82, %mul3A_25 in 0 : vector<32x64xf32>, vector<32x64xf32>, vector<32x64xf32>, vector<32x64xf32> -> vector<128x64xf32>
    %get3A_84 = arith.constant 1 : index
    %get3A_85 = arith.constant 0 : index
    %get3A_86 = arith.constant 0 : index
    %get3A_87 = arith.constant 0 : index
    %get3A_88 = vector.load %arg5[%get3A_84, %get3A_85, %get3A_86, %get3A_87] : memref<2x2x32x128xf32, #tpu.memory_space<vmem>>, vector<1x1x32x128xf32>
    %get3A_89 = vector.shape_cast %get3A_88 : vector<1x1x32x128xf32> to vector<32x128xf32>
    %dot_general3A_90 = arith.constant dense<0.000000e+00> : vector<32x64xf32>
    %dot_general3A_91 = tpu.matmul %get3A_89, %concatenate3A_83, %dot_general3A_90 {dimension_numbers = #tpu.dot_dimension_numbers<[1], [0], [0], [1], [0, 0, 1, 1], [], []>, transpose_lhs_hint = false} : vector<32x128xf32>, vector<128x64xf32>, vector<32x64xf32> -> vector<32x64xf32>
    %slice3A_92 = vector.extract_strided_slice %get3A_13 {offsets = [0, 1], sizes = [32, 63], strides = [1, 1]} : vector<32x64xf32> to vector<32x63xf32>
    %concatenate3A_93 = tpu.concatenate %slice3A_92, %broadcast_in_dim3A_26 in 1 : vector<32x63xf32>, vector<32x1xf32> -> vector<32x64xf32>
    %slice3A_94 = vector.extract_strided_slice %mul3A_25 {offsets = [0, 1], sizes = [32, 63], strides = [1, 1]} : vector<32x64xf32> to vector<32x63xf32>
    %concatenate3A_95 = tpu.concatenate %slice3A_94, %broadcast_in_dim3A_26 in 1 : vector<32x63xf32>, vector<32x1xf32> -> vector<32x64xf32>
    %concatenate3A_96 = tpu.concatenate %get3A_13, %concatenate3A_93, %mul3A_25, %concatenate3A_95 in 0 : vector<32x64xf32>, vector<32x64xf32>, vector<32x64xf32>, vector<32x64xf32> -> vector<128x64xf32>
    %get3A_97 = arith.constant 1 : index
    %get3A_98 = arith.constant 1 : index
    %get3A_99 = arith.constant 0 : index
    %get3A_100 = arith.constant 0 : index
    %get3A_101 = vector.load %arg5[%get3A_97, %get3A_98, %get3A_99, %get3A_100] : memref<2x2x32x128xf32, #tpu.memory_space<vmem>>, vector<1x1x32x128xf32>
    %get3A_102 = vector.shape_cast %get3A_101 : vector<1x1x32x128xf32> to vector<32x128xf32>
    %dot_general3A_103 = arith.constant dense<0.000000e+00> : vector<32x64xf32>
    %dot_general3A_104 = tpu.matmul %get3A_102, %concatenate3A_96, %dot_general3A_103 {dimension_numbers = #tpu.dot_dimension_numbers<[1], [0], [0], [1], [0, 0, 1, 1], [], []>, transpose_lhs_hint = false} : vector<32x128xf32>, vector<128x64xf32>, vector<32x64xf32> -> vector<32x64xf32>
    %iota3A_105 = tpu.iota {dimensions = array<i32: 1>} : vector<32x128xi32>
    %shift_right_arithmetic3A_106 = arith.constant 1 : i32
    %shift_right_arithmetic3A_107 = vector.broadcast %shift_right_arithmetic3A_106 : i32 to vector<32x128xi32>
    %shift_right_arithmetic3A_108 = arith.shrsi %iota3A_105, %shift_right_arithmetic3A_107 : vector<32x128xi32>
    %and3A_109 = arith.constant 1 : i32
    %and3A_110 = vector.broadcast %and3A_109 : i32 to vector<32x128xi32>
    %and3A_111 = arith.andi %iota3A_105, %and3A_110 : vector<32x128xi32>
    %mul3A_112 = arith.constant 64 : i32
    %mul3A_113 = vector.broadcast %mul3A_112 : i32 to vector<32x128xi32>
    %mul3A_114 = arith.muli %and3A_111, %mul3A_113 : vector<32x128xi32>
    %add3A_115 = arith.addi %shift_right_arithmetic3A_108, %mul3A_114 : vector<32x128xi32>
    %concatenate3A_116 = tpu.concatenate %dot_general3A_91, %dot_general3A_104 in 1 : vector<32x64xf32>, vector<32x64xf32> -> vector<32x128xf32>
    %lt3A_117 = arith.constant 0 : i32
    %lt3A_118 = vector.broadcast %lt3A_117 : i32 to vector<32x128xi32>
    %lt3A_119 = arith.cmpi slt, %add3A_115, %lt3A_118 : vector<32x128xi32>
    %add3A_120 = arith.constant 128 : i32
    %add3A_121 = vector.broadcast %add3A_120 : i32 to vector<32x128xi32>
    %add3A_122 = arith.addi %add3A_115, %add3A_121 : vector<32x128xi32>
    %select_n3A_123 = arith.select %lt3A_119, %add3A_122, %add3A_115 : vector<32x128xi1>, vector<32x128xi32>
    %reshape3A_124 = vector.shape_cast %select_n3A_123 : vector<32x128xi32> to vector<32x128x1xi32>
    %gather3A_125 = vector.shape_cast %reshape3A_124 : vector<32x128x1xi32> to vector<32x128xi32>
    %gather3A_126 = tpu.dynamic_gather %concatenate3A_116[%gather3A_125] in [1] : vector<32x128xf32>, vector<32x128xi32> -> vector<32x128xf32>
    %add3A_127 = vector.broadcast %get3A_29 : vector<32x1xf32> to vector<32x128xf32>
    %add3A_128 = arith.addf %gather3A_126, %add3A_127 : vector<32x128xf32>
    %max3A_129 = arith.constant 0.000000e+00 : f32
    %max3A_130 = vector.broadcast %max3A_129 : f32 to vector<32x128xf32>
    %max3A_131 = arith.maximumf %add3A_128, %max3A_130 : vector<32x128xf32>
    %swap3A_132 = arith.constant 0 : index
    %swap3A_133 = arith.constant 1 : index
    %swap3A_134 = arith.constant 0 : index
    %swap3A_135 = arith.constant 0 : index
    %swap3A_136 = vector.load %arg7[%swap3A_132, %swap3A_133, %swap3A_134, %swap3A_135] : memref<1x2x32x128xf32, #tpu.memory_space<vmem>>, vector<1x1x32x128xf32>
    %swap3A_137 = vector.shape_cast %swap3A_136 : vector<1x1x32x128xf32> to vector<32x128xf32>
    %swap3A_138 = vector.shape_cast %max3A_131 : vector<32x128xf32> to vector<1x1x32x128xf32>
    tpu.vector_store %arg7[%swap3A_132, %swap3A_133, %swap3A_134, %swap3A_135], %swap3A_138 {strides = array<i32>} : memref<1x2x32x128xf32, #tpu.memory_space<vmem>>, vector<1x1x32x128xf32>,
    return
  }
  func.func @transform_0(%arg0: i32, %arg1: i32) -> (i32, i32, i32, i32) {
    %sub3A = arith.constant 1 : i32
    %sub3A_0 = arith.subi %arg1, %sub3A : i32
    %max3A = arith.constant 0 : i32
    %max3A_1 = arith.maxsi %sub3A_0, %max3A : i32
    %c0_i32 = arith.constant 0 : i32
    %c0_i32_2 = arith.constant 0 : i32
    %c0_i32_3 = arith.constant 0 : i32
    return %arg0, %max3A_1, %c0_i32, %c0_i32_2 : i32, i32, i32, i32
  }
  func.func @transform_1(%arg0: i32, %arg1: i32) -> (i32, i32, i32, i32) {
    %c0_i32 = arith.constant 0 : i32
    %c0_i32_0 = arith.constant 0 : i32
    %c0_i32_1 = arith.constant 0 : i32
    return %arg0, %arg1, %c0_i32, %c0_i32_0 : i32, i32, i32, i32
  }
  func.func @transform_2(%arg0: i32, %arg1: i32) -> (i32, i32, i32, i32) {
    %add3A = arith.constant 1 : i32
    %add3A_0 = arith.addi %arg1, %add3A : i32
    %min3A = arith.constant 63 : i32
    %min3A_1 = arith.minsi %add3A_0, %min3A : i32
    %c0_i32 = arith.constant 0 : i32
    %c0_i32_2 = arith.constant 0 : i32
    %c0_i32_3 = arith.constant 0 : i32
    return %arg0, %min3A_1, %c0_i32, %c0_i32_2 : i32, i32, i32, i32
  }
  func.func @transform_3(%arg0: i32, %arg1: i32) -> (i32, i32, i32, i32) {
    %c0_i32 = arith.constant 0 : i32
    %c0_i32_0 = arith.constant 0 : i32
    %c0_i32_1 = arith.constant 0 : i32
    %c0_i32_2 = arith.constant 0 : i32
    %c0_i32_3 = arith.constant 0 : i32
    return %c0_i32, %c0_i32_0, %c0_i32_1, %c0_i32_2 : i32, i32, i32, i32
  }
  func.func @transform_4(%arg0: i32, %arg1: i32) -> (i32, i32) {
    %c0_i32 = arith.constant 0 : i32
    %c0_i32_0 = arith.constant 0 : i32
    %c0_i32_1 = arith.constant 0 : i32
    return %c0_i32, %c0_i32_0 : i32, i32
  }
  func.func @transform_5(%arg0: i32, %arg1: i32) -> (i32, i32, i32, i32) {
    %c0_i32 = arith.constant 0 : i32
    %c0_i32_0 = arith.constant 0 : i32
    %c0_i32_1 = arith.constant 0 : i32
    return %arg0, %arg1, %c0_i32, %c0_i32_0 : i32, i32, i32, i32
  }
}

module attributes {stable_mosaic.version = 14 : i64} {
  func.func @_up_conv_body(%arg0: i32, %arg1: i32, %arg2: memref<1x1x32x128xf32, #tpu.memory_space<vmem>>, %arg3: memref<1x1x32x128xf32, #tpu.memory_space<vmem>>, %arg4: memref<1x1x32x128xf32, #tpu.memory_space<vmem>>, %arg5: memref<2x2x32x128xf32, #tpu.memory_space<vmem>>, %arg6: memref<32x1xf32, #tpu.memory_space<vmem>>, %arg7: memref<1x2x32x256xf32, #tpu.memory_space<vmem>>) attributes {dimension_semantics = [#tpu.dimension_semantics<arbitrary>, #tpu.dimension_semantics<arbitrary>], iteration_bounds = array<i64: 2, 128>, scalar_prefetch = 0 : i64, scratch_operands = 0 : i64, tpu.core_type = #tpu.core_type<tc>, window_params = [{transform_indices = @transform_0, window_bounds = array<i64: 1, 1, 32, 128>}, {transform_indices = @transform_1, window_bounds = array<i64: 1, 1, 32, 128>}, {transform_indices = @transform_2, window_bounds = array<i64: 1, 1, 32, 128>}, {pipeline_mode = #tpu.pipeline_mode<synchronous>, transform_indices = @transform_3, window_bounds = array<i64: 2, 2, 32, 128>}, {pipeline_mode = #tpu.pipeline_mode<synchronous>, transform_indices = @transform_4, window_bounds = array<i64: 32, 1>}, {transform_indices = @transform_5, window_bounds = array<i64: 1, 2, 32, 256>}]} {
    %get3A = arith.constant 0 : index
    %get3A_0 = arith.constant 0 : index
    %get3A_1 = arith.constant 0 : index
    %get3A_2 = arith.constant 0 : index
    %get3A_3 = vector.load %arg2[%get3A, %get3A_0, %get3A_1, %get3A_2] : memref<1x1x32x128xf32, #tpu.memory_space<vmem>>, vector<1x1x32x128xf32>
    %get3A_4 = vector.shape_cast %get3A_3 : vector<1x1x32x128xf32> to vector<32x128xf32>
    %gt3A = arith.constant 0 : i32
    %gt3A_5 = arith.cmpi sgt, %arg1, %gt3A : i32
    %jit3A = arith.constant 1.000000e+00 : f32
    %jit3A_6 = arith.constant 0.000000e+00 : f32
    %select_n3A = arith.select %gt3A_5, %jit3A, %jit3A_6 : f32
    %mul3A = vector.broadcast %select_n3A : f32 to vector<32x128xf32>
    %mul3A_7 = arith.mulf %get3A_4, %mul3A : vector<32x128xf32>
    %get3A_8 = arith.constant 0 : index
    %get3A_9 = arith.constant 0 : index
    %get3A_10 = arith.constant 0 : index
    %get3A_11 = arith.constant 0 : index
    %get3A_12 = vector.load %arg3[%get3A_8, %get3A_9, %get3A_10, %get3A_11] : memref<1x1x32x128xf32, #tpu.memory_space<vmem>>, vector<1x1x32x128xf32>
    %get3A_13 = vector.shape_cast %get3A_12 : vector<1x1x32x128xf32> to vector<32x128xf32>
    %get3A_14 = arith.constant 0 : index
    %get3A_15 = arith.constant 0 : index
    %get3A_16 = arith.constant 0 : index
    %get3A_17 = arith.constant 0 : index
    %get3A_18 = vector.load %arg4[%get3A_14, %get3A_15, %get3A_16, %get3A_17] : memref<1x1x32x128xf32, #tpu.memory_space<vmem>>, vector<1x1x32x128xf32>
    %get3A_19 = vector.shape_cast %get3A_18 : vector<1x1x32x128xf32> to vector<32x128xf32>
    %lt3A = arith.constant 127 : i32
    %lt3A_20 = arith.cmpi slt, %arg1, %lt3A : i32
    %jit3A_21 = arith.constant 1.000000e+00 : f32
    %jit3A_22 = arith.constant 0.000000e+00 : f32
    %select_n3A_23 = arith.select %lt3A_20, %jit3A_21, %jit3A_22 : f32
    %mul3A_24 = vector.broadcast %select_n3A_23 : f32 to vector<32x128xf32>
    %mul3A_25 = arith.mulf %get3A_19, %mul3A_24 : vector<32x128xf32>
    %broadcast_in_dim3A = arith.constant 0.000000e+00 : f32
    %broadcast_in_dim3A_26 = vector.broadcast %broadcast_in_dim3A : f32 to vector<32x1xf32>
    %get3A_27 = arith.constant 0 : index
    %get3A_28 = arith.constant 0 : index
    %get3A_29 = vector.load %arg6[%get3A_27, %get3A_28] : memref<32x1xf32, #tpu.memory_space<vmem>>, vector<32x1xf32>
    %slice3A = vector.extract_strided_slice %mul3A_7 {offsets = [0, 0], sizes = [32, 127], strides = [1, 1]} : vector<32x128xf32> to vector<32x127xf32>
    %concatenate3A = tpu.concatenate %broadcast_in_dim3A_26, %slice3A in 1 : vector<32x1xf32>, vector<32x127xf32> -> vector<32x128xf32>
    %slice3A_30 = vector.extract_strided_slice %get3A_13 {offsets = [0, 0], sizes = [32, 127], strides = [1, 1]} : vector<32x128xf32> to vector<32x127xf32>
    %concatenate3A_31 = tpu.concatenate %broadcast_in_dim3A_26, %slice3A_30 in 1 : vector<32x1xf32>, vector<32x127xf32> -> vector<32x128xf32>
    %concatenate3A_32 = tpu.concatenate %concatenate3A, %mul3A_7, %concatenate3A_31, %get3A_13 in 0 : vector<32x128xf32>, vector<32x128xf32>, vector<32x128xf32>, vector<32x128xf32> -> vector<128x128xf32>
    %get3A_33 = arith.constant 0 : index
    %get3A_34 = arith.constant 0 : index
    %get3A_35 = arith.constant 0 : index
    %get3A_36 = arith.constant 0 : index
    %get3A_37 = vector.load %arg5[%get3A_33, %get3A_34, %get3A_35, %get3A_36] : memref<2x2x32x128xf32, #tpu.memory_space<vmem>>, vector<1x1x32x128xf32>
    %get3A_38 = vector.shape_cast %get3A_37 : vector<1x1x32x128xf32> to vector<32x128xf32>
    %dot_general3A = arith.constant dense<0.000000e+00> : vector<32x128xf32>
    %dot_general3A_39 = tpu.matmul %get3A_38, %concatenate3A_32, %dot_general3A {dimension_numbers = #tpu.dot_dimension_numbers<[1], [0], [0], [1], [0, 0, 1, 1], [], []>, transpose_lhs_hint = false} : vector<32x128xf32>, vector<128x128xf32>, vector<32x128xf32> -> vector<32x128xf32>
    %slice3A_40 = vector.extract_strided_slice %mul3A_7 {offsets = [0, 1], sizes = [32, 127], strides = [1, 1]} : vector<32x128xf32> to vector<32x127xf32>
    %concatenate3A_41 = tpu.concatenate %slice3A_40, %broadcast_in_dim3A_26 in 1 : vector<32x127xf32>, vector<32x1xf32> -> vector<32x128xf32>
    %slice3A_42 = vector.extract_strided_slice %get3A_13 {offsets = [0, 1], sizes = [32, 127], strides = [1, 1]} : vector<32x128xf32> to vector<32x127xf32>
    %concatenate3A_43 = tpu.concatenate %slice3A_42, %broadcast_in_dim3A_26 in 1 : vector<32x127xf32>, vector<32x1xf32> -> vector<32x128xf32>
    %concatenate3A_44 = tpu.concatenate %mul3A_7, %concatenate3A_41, %get3A_13, %concatenate3A_43 in 0 : vector<32x128xf32>, vector<32x128xf32>, vector<32x128xf32>, vector<32x128xf32> -> vector<128x128xf32>
    %get3A_45 = arith.constant 0 : index
    %get3A_46 = arith.constant 1 : index
    %get3A_47 = arith.constant 0 : index
    %get3A_48 = arith.constant 0 : index
    %get3A_49 = vector.load %arg5[%get3A_45, %get3A_46, %get3A_47, %get3A_48] : memref<2x2x32x128xf32, #tpu.memory_space<vmem>>, vector<1x1x32x128xf32>
    %get3A_50 = vector.shape_cast %get3A_49 : vector<1x1x32x128xf32> to vector<32x128xf32>
    %dot_general3A_51 = arith.constant dense<0.000000e+00> : vector<32x128xf32>
    %dot_general3A_52 = tpu.matmul %get3A_50, %concatenate3A_44, %dot_general3A_51 {dimension_numbers = #tpu.dot_dimension_numbers<[1], [0], [0], [1], [0, 0, 1, 1], [], []>, transpose_lhs_hint = false} : vector<32x128xf32>, vector<128x128xf32>, vector<32x128xf32> -> vector<32x128xf32>
    %iota3A = tpu.iota {dimensions = array<i32: 1>} : vector<32x128xi32>
    %shift_right_arithmetic3A = arith.constant 1 : i32
    %shift_right_arithmetic3A_53 = vector.broadcast %shift_right_arithmetic3A : i32 to vector<32x128xi32>
    %shift_right_arithmetic3A_54 = arith.shrsi %iota3A, %shift_right_arithmetic3A_53 : vector<32x128xi32>
    %and3A = arith.constant 1 : i32
    %and3A_55 = vector.broadcast %and3A : i32 to vector<32x128xi32>
    %and3A_56 = arith.andi %iota3A, %and3A_55 : vector<32x128xi32>
    %mul3A_57 = arith.constant 64 : i32
    %mul3A_58 = vector.broadcast %mul3A_57 : i32 to vector<32x128xi32>
    %mul3A_59 = arith.muli %and3A_56, %mul3A_58 : vector<32x128xi32>
    %add3A = arith.addi %shift_right_arithmetic3A_54, %mul3A_59 : vector<32x128xi32>
    %slice3A_60 = vector.extract_strided_slice %dot_general3A_39 {offsets = [0, 0], sizes = [32, 64], strides = [1, 1]} : vector<32x128xf32> to vector<32x64xf32>
    %slice3A_61 = vector.extract_strided_slice %dot_general3A_52 {offsets = [0, 0], sizes = [32, 64], strides = [1, 1]} : vector<32x128xf32> to vector<32x64xf32>
    %concatenate3A_62 = tpu.concatenate %slice3A_60, %slice3A_61 in 1 : vector<32x64xf32>, vector<32x64xf32> -> vector<32x128xf32>
    %lt3A_63 = arith.constant 0 : i32
    %lt3A_64 = vector.broadcast %lt3A_63 : i32 to vector<32x128xi32>
    %lt3A_65 = arith.cmpi slt, %add3A, %lt3A_64 : vector<32x128xi32>
    %add3A_66 = arith.constant 128 : i32
    %add3A_67 = vector.broadcast %add3A_66 : i32 to vector<32x128xi32>
    %add3A_68 = arith.addi %add3A, %add3A_67 : vector<32x128xi32>
    %select_n3A_69 = arith.select %lt3A_65, %add3A_68, %add3A : vector<32x128xi1>, vector<32x128xi32>
    %reshape3A = vector.shape_cast %select_n3A_69 : vector<32x128xi32> to vector<32x128x1xi32>
    %gather3A = vector.shape_cast %reshape3A : vector<32x128x1xi32> to vector<32x128xi32>
    %gather3A_70 = tpu.dynamic_gather %concatenate3A_62[%gather3A] in [1] : vector<32x128xf32>, vector<32x128xi32> -> vector<32x128xf32>
    %slice3A_71 = vector.extract_strided_slice %dot_general3A_39 {offsets = [0, 64], sizes = [32, 64], strides = [1, 1]} : vector<32x128xf32> to vector<32x64xf32>
    %slice3A_72 = vector.extract_strided_slice %dot_general3A_52 {offsets = [0, 64], sizes = [32, 64], strides = [1, 1]} : vector<32x128xf32> to vector<32x64xf32>
    %concatenate3A_73 = tpu.concatenate %slice3A_71, %slice3A_72 in 1 : vector<32x64xf32>, vector<32x64xf32> -> vector<32x128xf32>
    %lt3A_74 = arith.constant 0 : i32
    %lt3A_75 = vector.broadcast %lt3A_74 : i32 to vector<32x128xi32>
    %lt3A_76 = arith.cmpi slt, %add3A, %lt3A_75 : vector<32x128xi32>
    %add3A_77 = arith.constant 128 : i32
    %add3A_78 = vector.broadcast %add3A_77 : i32 to vector<32x128xi32>
    %add3A_79 = arith.addi %add3A, %add3A_78 : vector<32x128xi32>
    %select_n3A_80 = arith.select %lt3A_76, %add3A_79, %add3A : vector<32x128xi1>, vector<32x128xi32>
    %reshape3A_81 = vector.shape_cast %select_n3A_80 : vector<32x128xi32> to vector<32x128x1xi32>
    %gather3A_82 = vector.shape_cast %reshape3A_81 : vector<32x128x1xi32> to vector<32x128xi32>
    %gather3A_83 = tpu.dynamic_gather %concatenate3A_73[%gather3A_82] in [1] : vector<32x128xf32>, vector<32x128xi32> -> vector<32x128xf32>
    %concatenate3A_84 = tpu.concatenate %gather3A_70, %gather3A_83 in 1 : vector<32x128xf32>, vector<32x128xf32> -> vector<32x256xf32>
    %add3A_85 = vector.broadcast %get3A_29 : vector<32x1xf32> to vector<32x256xf32>
    %add3A_86 = arith.addf %concatenate3A_84, %add3A_85 : vector<32x256xf32>
    %max3A = arith.constant 0.000000e+00 : f32
    %max3A_87 = vector.broadcast %max3A : f32 to vector<32x256xf32>
    %max3A_88 = arith.maximumf %add3A_86, %max3A_87 : vector<32x256xf32>
    %swap3A = arith.constant 0 : index
    %swap3A_89 = arith.constant 0 : index
    %swap3A_90 = arith.constant 0 : index
    %swap3A_91 = arith.constant 0 : index
    %swap3A_92 = vector.load %arg7[%swap3A, %swap3A_89, %swap3A_90, %swap3A_91] : memref<1x2x32x256xf32, #tpu.memory_space<vmem>>, vector<1x1x32x256xf32>
    %swap3A_93 = vector.shape_cast %swap3A_92 : vector<1x1x32x256xf32> to vector<32x256xf32>
    %swap3A_94 = vector.shape_cast %max3A_88 : vector<32x256xf32> to vector<1x1x32x256xf32>
    tpu.vector_store %arg7[%swap3A, %swap3A_89, %swap3A_90, %swap3A_91], %swap3A_94 {strides = array<i32>} : memref<1x2x32x256xf32, #tpu.memory_space<vmem>>, vector<1x1x32x256xf32>,
    %slice3A_95 = vector.extract_strided_slice %get3A_13 {offsets = [0, 0], sizes = [32, 127], strides = [1, 1]} : vector<32x128xf32> to vector<32x127xf32>
    %concatenate3A_96 = tpu.concatenate %broadcast_in_dim3A_26, %slice3A_95 in 1 : vector<32x1xf32>, vector<32x127xf32> -> vector<32x128xf32>
    %slice3A_97 = vector.extract_strided_slice %mul3A_25 {offsets = [0, 0], sizes = [32, 127], strides = [1, 1]} : vector<32x128xf32> to vector<32x127xf32>
    %concatenate3A_98 = tpu.concatenate %broadcast_in_dim3A_26, %slice3A_97 in 1 : vector<32x1xf32>, vector<32x127xf32> -> vector<32x128xf32>
    %concatenate3A_99 = tpu.concatenate %concatenate3A_96, %get3A_13, %concatenate3A_98, %mul3A_25 in 0 : vector<32x128xf32>, vector<32x128xf32>, vector<32x128xf32>, vector<32x128xf32> -> vector<128x128xf32>
    %get3A_100 = arith.constant 1 : index
    %get3A_101 = arith.constant 0 : index
    %get3A_102 = arith.constant 0 : index
    %get3A_103 = arith.constant 0 : index
    %get3A_104 = vector.load %arg5[%get3A_100, %get3A_101, %get3A_102, %get3A_103] : memref<2x2x32x128xf32, #tpu.memory_space<vmem>>, vector<1x1x32x128xf32>
    %get3A_105 = vector.shape_cast %get3A_104 : vector<1x1x32x128xf32> to vector<32x128xf32>
    %dot_general3A_106 = arith.constant dense<0.000000e+00> : vector<32x128xf32>
    %dot_general3A_107 = tpu.matmul %get3A_105, %concatenate3A_99, %dot_general3A_106 {dimension_numbers = #tpu.dot_dimension_numbers<[1], [0], [0], [1], [0, 0, 1, 1], [], []>, transpose_lhs_hint = false} : vector<32x128xf32>, vector<128x128xf32>, vector<32x128xf32> -> vector<32x128xf32>
    %slice3A_108 = vector.extract_strided_slice %get3A_13 {offsets = [0, 1], sizes = [32, 127], strides = [1, 1]} : vector<32x128xf32> to vector<32x127xf32>
    %concatenate3A_109 = tpu.concatenate %slice3A_108, %broadcast_in_dim3A_26 in 1 : vector<32x127xf32>, vector<32x1xf32> -> vector<32x128xf32>
    %slice3A_110 = vector.extract_strided_slice %mul3A_25 {offsets = [0, 1], sizes = [32, 127], strides = [1, 1]} : vector<32x128xf32> to vector<32x127xf32>
    %concatenate3A_111 = tpu.concatenate %slice3A_110, %broadcast_in_dim3A_26 in 1 : vector<32x127xf32>, vector<32x1xf32> -> vector<32x128xf32>
    %concatenate3A_112 = tpu.concatenate %get3A_13, %concatenate3A_109, %mul3A_25, %concatenate3A_111 in 0 : vector<32x128xf32>, vector<32x128xf32>, vector<32x128xf32>, vector<32x128xf32> -> vector<128x128xf32>
    %get3A_113 = arith.constant 1 : index
    %get3A_114 = arith.constant 1 : index
    %get3A_115 = arith.constant 0 : index
    %get3A_116 = arith.constant 0 : index
    %get3A_117 = vector.load %arg5[%get3A_113, %get3A_114, %get3A_115, %get3A_116] : memref<2x2x32x128xf32, #tpu.memory_space<vmem>>, vector<1x1x32x128xf32>
    %get3A_118 = vector.shape_cast %get3A_117 : vector<1x1x32x128xf32> to vector<32x128xf32>
    %dot_general3A_119 = arith.constant dense<0.000000e+00> : vector<32x128xf32>
    %dot_general3A_120 = tpu.matmul %get3A_118, %concatenate3A_112, %dot_general3A_119 {dimension_numbers = #tpu.dot_dimension_numbers<[1], [0], [0], [1], [0, 0, 1, 1], [], []>, transpose_lhs_hint = false} : vector<32x128xf32>, vector<128x128xf32>, vector<32x128xf32> -> vector<32x128xf32>
    %iota3A_121 = tpu.iota {dimensions = array<i32: 1>} : vector<32x128xi32>
    %shift_right_arithmetic3A_122 = arith.constant 1 : i32
    %shift_right_arithmetic3A_123 = vector.broadcast %shift_right_arithmetic3A_122 : i32 to vector<32x128xi32>
    %shift_right_arithmetic3A_124 = arith.shrsi %iota3A_121, %shift_right_arithmetic3A_123 : vector<32x128xi32>
    %and3A_125 = arith.constant 1 : i32
    %and3A_126 = vector.broadcast %and3A_125 : i32 to vector<32x128xi32>
    %and3A_127 = arith.andi %iota3A_121, %and3A_126 : vector<32x128xi32>
    %mul3A_128 = arith.constant 64 : i32
    %mul3A_129 = vector.broadcast %mul3A_128 : i32 to vector<32x128xi32>
    %mul3A_130 = arith.muli %and3A_127, %mul3A_129 : vector<32x128xi32>
    %add3A_131 = arith.addi %shift_right_arithmetic3A_124, %mul3A_130 : vector<32x128xi32>
    %slice3A_132 = vector.extract_strided_slice %dot_general3A_107 {offsets = [0, 0], sizes = [32, 64], strides = [1, 1]} : vector<32x128xf32> to vector<32x64xf32>
    %slice3A_133 = vector.extract_strided_slice %dot_general3A_120 {offsets = [0, 0], sizes = [32, 64], strides = [1, 1]} : vector<32x128xf32> to vector<32x64xf32>
    %concatenate3A_134 = tpu.concatenate %slice3A_132, %slice3A_133 in 1 : vector<32x64xf32>, vector<32x64xf32> -> vector<32x128xf32>
    %lt3A_135 = arith.constant 0 : i32
    %lt3A_136 = vector.broadcast %lt3A_135 : i32 to vector<32x128xi32>
    %lt3A_137 = arith.cmpi slt, %add3A_131, %lt3A_136 : vector<32x128xi32>
    %add3A_138 = arith.constant 128 : i32
    %add3A_139 = vector.broadcast %add3A_138 : i32 to vector<32x128xi32>
    %add3A_140 = arith.addi %add3A_131, %add3A_139 : vector<32x128xi32>
    %select_n3A_141 = arith.select %lt3A_137, %add3A_140, %add3A_131 : vector<32x128xi1>, vector<32x128xi32>
    %reshape3A_142 = vector.shape_cast %select_n3A_141 : vector<32x128xi32> to vector<32x128x1xi32>
    %gather3A_143 = vector.shape_cast %reshape3A_142 : vector<32x128x1xi32> to vector<32x128xi32>
    %gather3A_144 = tpu.dynamic_gather %concatenate3A_134[%gather3A_143] in [1] : vector<32x128xf32>, vector<32x128xi32> -> vector<32x128xf32>
    %slice3A_145 = vector.extract_strided_slice %dot_general3A_107 {offsets = [0, 64], sizes = [32, 64], strides = [1, 1]} : vector<32x128xf32> to vector<32x64xf32>
    %slice3A_146 = vector.extract_strided_slice %dot_general3A_120 {offsets = [0, 64], sizes = [32, 64], strides = [1, 1]} : vector<32x128xf32> to vector<32x64xf32>
    %concatenate3A_147 = tpu.concatenate %slice3A_145, %slice3A_146 in 1 : vector<32x64xf32>, vector<32x64xf32> -> vector<32x128xf32>
    %lt3A_148 = arith.constant 0 : i32
    %lt3A_149 = vector.broadcast %lt3A_148 : i32 to vector<32x128xi32>
    %lt3A_150 = arith.cmpi slt, %add3A_131, %lt3A_149 : vector<32x128xi32>
    %add3A_151 = arith.constant 128 : i32
    %add3A_152 = vector.broadcast %add3A_151 : i32 to vector<32x128xi32>
    %add3A_153 = arith.addi %add3A_131, %add3A_152 : vector<32x128xi32>
    %select_n3A_154 = arith.select %lt3A_150, %add3A_153, %add3A_131 : vector<32x128xi1>, vector<32x128xi32>
    %reshape3A_155 = vector.shape_cast %select_n3A_154 : vector<32x128xi32> to vector<32x128x1xi32>
    %gather3A_156 = vector.shape_cast %reshape3A_155 : vector<32x128x1xi32> to vector<32x128xi32>
    %gather3A_157 = tpu.dynamic_gather %concatenate3A_147[%gather3A_156] in [1] : vector<32x128xf32>, vector<32x128xi32> -> vector<32x128xf32>
    %concatenate3A_158 = tpu.concatenate %gather3A_144, %gather3A_157 in 1 : vector<32x128xf32>, vector<32x128xf32> -> vector<32x256xf32>
    %add3A_159 = vector.broadcast %get3A_29 : vector<32x1xf32> to vector<32x256xf32>
    %add3A_160 = arith.addf %concatenate3A_158, %add3A_159 : vector<32x256xf32>
    %max3A_161 = arith.constant 0.000000e+00 : f32
    %max3A_162 = vector.broadcast %max3A_161 : f32 to vector<32x256xf32>
    %max3A_163 = arith.maximumf %add3A_160, %max3A_162 : vector<32x256xf32>
    %swap3A_164 = arith.constant 0 : index
    %swap3A_165 = arith.constant 1 : index
    %swap3A_166 = arith.constant 0 : index
    %swap3A_167 = arith.constant 0 : index
    %swap3A_168 = vector.load %arg7[%swap3A_164, %swap3A_165, %swap3A_166, %swap3A_167] : memref<1x2x32x256xf32, #tpu.memory_space<vmem>>, vector<1x1x32x256xf32>
    %swap3A_169 = vector.shape_cast %swap3A_168 : vector<1x1x32x256xf32> to vector<32x256xf32>
    %swap3A_170 = vector.shape_cast %max3A_163 : vector<32x256xf32> to vector<1x1x32x256xf32>
    tpu.vector_store %arg7[%swap3A_164, %swap3A_165, %swap3A_166, %swap3A_167], %swap3A_170 {strides = array<i32>} : memref<1x2x32x256xf32, #tpu.memory_space<vmem>>, vector<1x1x32x256xf32>,
    return
  }
  func.func @transform_0(%arg0: i32, %arg1: i32) -> (i32, i32, i32, i32) {
    %sub3A = arith.constant 1 : i32
    %sub3A_0 = arith.subi %arg1, %sub3A : i32
    %max3A = arith.constant 0 : i32
    %max3A_1 = arith.maxsi %sub3A_0, %max3A : i32
    %c0_i32 = arith.constant 0 : i32
    %c0_i32_2 = arith.constant 0 : i32
    %c0_i32_3 = arith.constant 0 : i32
    return %arg0, %max3A_1, %c0_i32, %c0_i32_2 : i32, i32, i32, i32
  }
  func.func @transform_1(%arg0: i32, %arg1: i32) -> (i32, i32, i32, i32) {
    %c0_i32 = arith.constant 0 : i32
    %c0_i32_0 = arith.constant 0 : i32
    %c0_i32_1 = arith.constant 0 : i32
    return %arg0, %arg1, %c0_i32, %c0_i32_0 : i32, i32, i32, i32
  }
  func.func @transform_2(%arg0: i32, %arg1: i32) -> (i32, i32, i32, i32) {
    %add3A = arith.constant 1 : i32
    %add3A_0 = arith.addi %arg1, %add3A : i32
    %min3A = arith.constant 127 : i32
    %min3A_1 = arith.minsi %add3A_0, %min3A : i32
    %c0_i32 = arith.constant 0 : i32
    %c0_i32_2 = arith.constant 0 : i32
    %c0_i32_3 = arith.constant 0 : i32
    return %arg0, %min3A_1, %c0_i32, %c0_i32_2 : i32, i32, i32, i32
  }
  func.func @transform_3(%arg0: i32, %arg1: i32) -> (i32, i32, i32, i32) {
    %c0_i32 = arith.constant 0 : i32
    %c0_i32_0 = arith.constant 0 : i32
    %c0_i32_1 = arith.constant 0 : i32
    %c0_i32_2 = arith.constant 0 : i32
    %c0_i32_3 = arith.constant 0 : i32
    return %c0_i32, %c0_i32_0, %c0_i32_1, %c0_i32_2 : i32, i32, i32, i32
  }
  func.func @transform_4(%arg0: i32, %arg1: i32) -> (i32, i32) {
    %c0_i32 = arith.constant 0 : i32
    %c0_i32_0 = arith.constant 0 : i32
    %c0_i32_1 = arith.constant 0 : i32
    return %c0_i32, %c0_i32_0 : i32, i32
  }
  func.func @transform_5(%arg0: i32, %arg1: i32) -> (i32, i32, i32, i32) {
    %c0_i32 = arith.constant 0 : i32
    %c0_i32_0 = arith.constant 0 : i32
    %c0_i32_1 = arith.constant 0 : i32
    return %arg0, %arg1, %c0_i32, %c0_i32_0 : i32, i32, i32, i32
  }
}

module attributes {stable_mosaic.version = 14 : i64} {
  func.func @_up_conv_body(%arg0: i32, %arg1: i32, %arg2: memref<1x1x32x256xf32, #tpu.memory_space<vmem>>, %arg3: memref<1x1x32x256xf32, #tpu.memory_space<vmem>>, %arg4: memref<1x1x32x256xf32, #tpu.memory_space<vmem>>, %arg5: memref<2x2x3x128xf32, #tpu.memory_space<vmem>>, %arg6: memref<3x1xf32, #tpu.memory_space<vmem>>, %arg7: memref<1x2x3x512xf32, #tpu.memory_space<vmem>>) attributes {dimension_semantics = [#tpu.dimension_semantics<arbitrary>, #tpu.dimension_semantics<arbitrary>], iteration_bounds = array<i64: 2, 256>, scalar_prefetch = 0 : i64, scratch_operands = 0 : i64, tpu.core_type = #tpu.core_type<tc>, window_params = [{transform_indices = @transform_0, window_bounds = array<i64: 1, 1, 32, 256>}, {transform_indices = @transform_1, window_bounds = array<i64: 1, 1, 32, 256>}, {transform_indices = @transform_2, window_bounds = array<i64: 1, 1, 32, 256>}, {pipeline_mode = #tpu.pipeline_mode<synchronous>, transform_indices = @transform_3, window_bounds = array<i64: 2, 2, 3, 128>}, {pipeline_mode = #tpu.pipeline_mode<synchronous>, transform_indices = @transform_4, window_bounds = array<i64: 3, 1>}, {transform_indices = @transform_5, window_bounds = array<i64: 1, 2, 3, 512>}]} {
    %get3A = arith.constant 0 : index
    %get3A_0 = arith.constant 0 : index
    %get3A_1 = arith.constant 0 : index
    %get3A_2 = arith.constant 0 : index
    %get3A_3 = vector.load %arg2[%get3A, %get3A_0, %get3A_1, %get3A_2] : memref<1x1x32x256xf32, #tpu.memory_space<vmem>>, vector<1x1x32x256xf32>
    %get3A_4 = vector.shape_cast %get3A_3 : vector<1x1x32x256xf32> to vector<32x256xf32>
    %gt3A = arith.constant 0 : i32
    %gt3A_5 = arith.cmpi sgt, %arg1, %gt3A : i32
    %jit3A = arith.constant 1.000000e+00 : f32
    %jit3A_6 = arith.constant 0.000000e+00 : f32
    %select_n3A = arith.select %gt3A_5, %jit3A, %jit3A_6 : f32
    %mul3A = vector.broadcast %select_n3A : f32 to vector<32x256xf32>
    %mul3A_7 = arith.mulf %get3A_4, %mul3A : vector<32x256xf32>
    %get3A_8 = arith.constant 0 : index
    %get3A_9 = arith.constant 0 : index
    %get3A_10 = arith.constant 0 : index
    %get3A_11 = arith.constant 0 : index
    %get3A_12 = vector.load %arg3[%get3A_8, %get3A_9, %get3A_10, %get3A_11] : memref<1x1x32x256xf32, #tpu.memory_space<vmem>>, vector<1x1x32x256xf32>
    %get3A_13 = vector.shape_cast %get3A_12 : vector<1x1x32x256xf32> to vector<32x256xf32>
    %get3A_14 = arith.constant 0 : index
    %get3A_15 = arith.constant 0 : index
    %get3A_16 = arith.constant 0 : index
    %get3A_17 = arith.constant 0 : index
    %get3A_18 = vector.load %arg4[%get3A_14, %get3A_15, %get3A_16, %get3A_17] : memref<1x1x32x256xf32, #tpu.memory_space<vmem>>, vector<1x1x32x256xf32>
    %get3A_19 = vector.shape_cast %get3A_18 : vector<1x1x32x256xf32> to vector<32x256xf32>
    %lt3A = arith.constant 255 : i32
    %lt3A_20 = arith.cmpi slt, %arg1, %lt3A : i32
    %jit3A_21 = arith.constant 1.000000e+00 : f32
    %jit3A_22 = arith.constant 0.000000e+00 : f32
    %select_n3A_23 = arith.select %lt3A_20, %jit3A_21, %jit3A_22 : f32
    %mul3A_24 = vector.broadcast %select_n3A_23 : f32 to vector<32x256xf32>
    %mul3A_25 = arith.mulf %get3A_19, %mul3A_24 : vector<32x256xf32>
    %broadcast_in_dim3A = arith.constant 0.000000e+00 : f32
    %broadcast_in_dim3A_26 = vector.broadcast %broadcast_in_dim3A : f32 to vector<32x1xf32>
    %get3A_27 = arith.constant 0 : index
    %get3A_28 = arith.constant 0 : index
    %get3A_29 = vector.load %arg6[%get3A_27, %get3A_28] : memref<3x1xf32, #tpu.memory_space<vmem>>, vector<3x1xf32>
    %slice3A = vector.extract_strided_slice %mul3A_7 {offsets = [0, 0], sizes = [32, 255], strides = [1, 1]} : vector<32x256xf32> to vector<32x255xf32>
    %concatenate3A = tpu.concatenate %broadcast_in_dim3A_26, %slice3A in 1 : vector<32x1xf32>, vector<32x255xf32> -> vector<32x256xf32>
    %slice3A_30 = vector.extract_strided_slice %get3A_13 {offsets = [0, 0], sizes = [32, 255], strides = [1, 1]} : vector<32x256xf32> to vector<32x255xf32>
    %concatenate3A_31 = tpu.concatenate %broadcast_in_dim3A_26, %slice3A_30 in 1 : vector<32x1xf32>, vector<32x255xf32> -> vector<32x256xf32>
    %concatenate3A_32 = tpu.concatenate %concatenate3A, %mul3A_7, %concatenate3A_31, %get3A_13 in 0 : vector<32x256xf32>, vector<32x256xf32>, vector<32x256xf32>, vector<32x256xf32> -> vector<128x256xf32>
    %get3A_33 = arith.constant 0 : index
    %get3A_34 = arith.constant 0 : index
    %get3A_35 = arith.constant 0 : index
    %get3A_36 = arith.constant 0 : index
    %get3A_37 = vector.load %arg5[%get3A_33, %get3A_34, %get3A_35, %get3A_36] : memref<2x2x3x128xf32, #tpu.memory_space<vmem>>, vector<1x1x3x128xf32>
    %get3A_38 = vector.shape_cast %get3A_37 : vector<1x1x3x128xf32> to vector<3x128xf32>
    %dot_general3A = arith.constant dense<0.000000e+00> : vector<3x256xf32>
    %dot_general3A_39 = tpu.matmul %get3A_38, %concatenate3A_32, %dot_general3A {dimension_numbers = #tpu.dot_dimension_numbers<[1], [0], [0], [1], [0, 0, 1, 1], [], []>, transpose_lhs_hint = false} : vector<3x128xf32>, vector<128x256xf32>, vector<3x256xf32> -> vector<3x256xf32>
    %slice3A_40 = vector.extract_strided_slice %mul3A_7 {offsets = [0, 1], sizes = [32, 255], strides = [1, 1]} : vector<32x256xf32> to vector<32x255xf32>
    %concatenate3A_41 = tpu.concatenate %slice3A_40, %broadcast_in_dim3A_26 in 1 : vector<32x255xf32>, vector<32x1xf32> -> vector<32x256xf32>
    %slice3A_42 = vector.extract_strided_slice %get3A_13 {offsets = [0, 1], sizes = [32, 255], strides = [1, 1]} : vector<32x256xf32> to vector<32x255xf32>
    %concatenate3A_43 = tpu.concatenate %slice3A_42, %broadcast_in_dim3A_26 in 1 : vector<32x255xf32>, vector<32x1xf32> -> vector<32x256xf32>
    %concatenate3A_44 = tpu.concatenate %mul3A_7, %concatenate3A_41, %get3A_13, %concatenate3A_43 in 0 : vector<32x256xf32>, vector<32x256xf32>, vector<32x256xf32>, vector<32x256xf32> -> vector<128x256xf32>
    %get3A_45 = arith.constant 0 : index
    %get3A_46 = arith.constant 1 : index
    %get3A_47 = arith.constant 0 : index
    %get3A_48 = arith.constant 0 : index
    %get3A_49 = vector.load %arg5[%get3A_45, %get3A_46, %get3A_47, %get3A_48] : memref<2x2x3x128xf32, #tpu.memory_space<vmem>>, vector<1x1x3x128xf32>
    %get3A_50 = vector.shape_cast %get3A_49 : vector<1x1x3x128xf32> to vector<3x128xf32>
    %dot_general3A_51 = arith.constant dense<0.000000e+00> : vector<3x256xf32>
    %dot_general3A_52 = tpu.matmul %get3A_50, %concatenate3A_44, %dot_general3A_51 {dimension_numbers = #tpu.dot_dimension_numbers<[1], [0], [0], [1], [0, 0, 1, 1], [], []>, transpose_lhs_hint = false} : vector<3x128xf32>, vector<128x256xf32>, vector<3x256xf32> -> vector<3x256xf32>
    %iota3A = tpu.iota {dimensions = array<i32: 1>} : vector<3x128xi32>
    %shift_right_arithmetic3A = arith.constant 1 : i32
    %shift_right_arithmetic3A_53 = vector.broadcast %shift_right_arithmetic3A : i32 to vector<3x128xi32>
    %shift_right_arithmetic3A_54 = arith.shrsi %iota3A, %shift_right_arithmetic3A_53 : vector<3x128xi32>
    %and3A = arith.constant 1 : i32
    %and3A_55 = vector.broadcast %and3A : i32 to vector<3x128xi32>
    %and3A_56 = arith.andi %iota3A, %and3A_55 : vector<3x128xi32>
    %mul3A_57 = arith.constant 64 : i32
    %mul3A_58 = vector.broadcast %mul3A_57 : i32 to vector<3x128xi32>
    %mul3A_59 = arith.muli %and3A_56, %mul3A_58 : vector<3x128xi32>
    %add3A = arith.addi %shift_right_arithmetic3A_54, %mul3A_59 : vector<3x128xi32>
    %slice3A_60 = vector.extract_strided_slice %dot_general3A_39 {offsets = [0, 0], sizes = [3, 64], strides = [1, 1]} : vector<3x256xf32> to vector<3x64xf32>
    %slice3A_61 = vector.extract_strided_slice %dot_general3A_52 {offsets = [0, 0], sizes = [3, 64], strides = [1, 1]} : vector<3x256xf32> to vector<3x64xf32>
    %concatenate3A_62 = tpu.concatenate %slice3A_60, %slice3A_61 in 1 : vector<3x64xf32>, vector<3x64xf32> -> vector<3x128xf32>
    %lt3A_63 = arith.constant 0 : i32
    %lt3A_64 = vector.broadcast %lt3A_63 : i32 to vector<3x128xi32>
    %lt3A_65 = arith.cmpi slt, %add3A, %lt3A_64 : vector<3x128xi32>
    %add3A_66 = arith.constant 128 : i32
    %add3A_67 = vector.broadcast %add3A_66 : i32 to vector<3x128xi32>
    %add3A_68 = arith.addi %add3A, %add3A_67 : vector<3x128xi32>
    %select_n3A_69 = arith.select %lt3A_65, %add3A_68, %add3A : vector<3x128xi1>, vector<3x128xi32>
    %reshape3A = vector.shape_cast %select_n3A_69 : vector<3x128xi32> to vector<3x128x1xi32>
    %gather3A = vector.shape_cast %reshape3A : vector<3x128x1xi32> to vector<3x128xi32>
    %gather3A_70 = tpu.dynamic_gather %concatenate3A_62[%gather3A] in [1] : vector<3x128xf32>, vector<3x128xi32> -> vector<3x128xf32>
    %slice3A_71 = vector.extract_strided_slice %dot_general3A_39 {offsets = [0, 64], sizes = [3, 64], strides = [1, 1]} : vector<3x256xf32> to vector<3x64xf32>
    %slice3A_72 = vector.extract_strided_slice %dot_general3A_52 {offsets = [0, 64], sizes = [3, 64], strides = [1, 1]} : vector<3x256xf32> to vector<3x64xf32>
    %concatenate3A_73 = tpu.concatenate %slice3A_71, %slice3A_72 in 1 : vector<3x64xf32>, vector<3x64xf32> -> vector<3x128xf32>
    %lt3A_74 = arith.constant 0 : i32
    %lt3A_75 = vector.broadcast %lt3A_74 : i32 to vector<3x128xi32>
    %lt3A_76 = arith.cmpi slt, %add3A, %lt3A_75 : vector<3x128xi32>
    %add3A_77 = arith.constant 128 : i32
    %add3A_78 = vector.broadcast %add3A_77 : i32 to vector<3x128xi32>
    %add3A_79 = arith.addi %add3A, %add3A_78 : vector<3x128xi32>
    %select_n3A_80 = arith.select %lt3A_76, %add3A_79, %add3A : vector<3x128xi1>, vector<3x128xi32>
    %reshape3A_81 = vector.shape_cast %select_n3A_80 : vector<3x128xi32> to vector<3x128x1xi32>
    %gather3A_82 = vector.shape_cast %reshape3A_81 : vector<3x128x1xi32> to vector<3x128xi32>
    %gather3A_83 = tpu.dynamic_gather %concatenate3A_73[%gather3A_82] in [1] : vector<3x128xf32>, vector<3x128xi32> -> vector<3x128xf32>
    %slice3A_84 = vector.extract_strided_slice %dot_general3A_39 {offsets = [0, 128], sizes = [3, 64], strides = [1, 1]} : vector<3x256xf32> to vector<3x64xf32>
    %slice3A_85 = vector.extract_strided_slice %dot_general3A_52 {offsets = [0, 128], sizes = [3, 64], strides = [1, 1]} : vector<3x256xf32> to vector<3x64xf32>
    %concatenate3A_86 = tpu.concatenate %slice3A_84, %slice3A_85 in 1 : vector<3x64xf32>, vector<3x64xf32> -> vector<3x128xf32>
    %lt3A_87 = arith.constant 0 : i32
    %lt3A_88 = vector.broadcast %lt3A_87 : i32 to vector<3x128xi32>
    %lt3A_89 = arith.cmpi slt, %add3A, %lt3A_88 : vector<3x128xi32>
    %add3A_90 = arith.constant 128 : i32
    %add3A_91 = vector.broadcast %add3A_90 : i32 to vector<3x128xi32>
    %add3A_92 = arith.addi %add3A, %add3A_91 : vector<3x128xi32>
    %select_n3A_93 = arith.select %lt3A_89, %add3A_92, %add3A : vector<3x128xi1>, vector<3x128xi32>
    %reshape3A_94 = vector.shape_cast %select_n3A_93 : vector<3x128xi32> to vector<3x128x1xi32>
    %gather3A_95 = vector.shape_cast %reshape3A_94 : vector<3x128x1xi32> to vector<3x128xi32>
    %gather3A_96 = tpu.dynamic_gather %concatenate3A_86[%gather3A_95] in [1] : vector<3x128xf32>, vector<3x128xi32> -> vector<3x128xf32>
    %slice3A_97 = vector.extract_strided_slice %dot_general3A_39 {offsets = [0, 192], sizes = [3, 64], strides = [1, 1]} : vector<3x256xf32> to vector<3x64xf32>
    %slice3A_98 = vector.extract_strided_slice %dot_general3A_52 {offsets = [0, 192], sizes = [3, 64], strides = [1, 1]} : vector<3x256xf32> to vector<3x64xf32>
    %concatenate3A_99 = tpu.concatenate %slice3A_97, %slice3A_98 in 1 : vector<3x64xf32>, vector<3x64xf32> -> vector<3x128xf32>
    %lt3A_100 = arith.constant 0 : i32
    %lt3A_101 = vector.broadcast %lt3A_100 : i32 to vector<3x128xi32>
    %lt3A_102 = arith.cmpi slt, %add3A, %lt3A_101 : vector<3x128xi32>
    %add3A_103 = arith.constant 128 : i32
    %add3A_104 = vector.broadcast %add3A_103 : i32 to vector<3x128xi32>
    %add3A_105 = arith.addi %add3A, %add3A_104 : vector<3x128xi32>
    %select_n3A_106 = arith.select %lt3A_102, %add3A_105, %add3A : vector<3x128xi1>, vector<3x128xi32>
    %reshape3A_107 = vector.shape_cast %select_n3A_106 : vector<3x128xi32> to vector<3x128x1xi32>
    %gather3A_108 = vector.shape_cast %reshape3A_107 : vector<3x128x1xi32> to vector<3x128xi32>
    %gather3A_109 = tpu.dynamic_gather %concatenate3A_99[%gather3A_108] in [1] : vector<3x128xf32>, vector<3x128xi32> -> vector<3x128xf32>
    %concatenate3A_110 = tpu.concatenate %gather3A_70, %gather3A_83, %gather3A_96, %gather3A_109 in 1 : vector<3x128xf32>, vector<3x128xf32>, vector<3x128xf32>, vector<3x128xf32> -> vector<3x512xf32>
    %add3A_111 = vector.broadcast %get3A_29 : vector<3x1xf32> to vector<3x512xf32>
    %add3A_112 = arith.addf %concatenate3A_110, %add3A_111 : vector<3x512xf32>
    %logistic3A = arith.negf %add3A_112 : vector<3x512xf32>
    %logistic3A_113 = math.exp %logistic3A : vector<3x512xf32>
    %logistic3A_114 = arith.constant 1.000000e+00 : f32
    %logistic3A_115 = vector.broadcast %logistic3A_114 : f32 to vector<3x512xf32>
    %logistic3A_116 = arith.addf %logistic3A_115, %logistic3A_113 : vector<3x512xf32>
    %logistic3A_117 = arith.divf %logistic3A_115, %logistic3A_116 : vector<3x512xf32>
    %swap3A = arith.constant 0 : index
    %swap3A_118 = arith.constant 0 : index
    %swap3A_119 = arith.constant 0 : index
    %swap3A_120 = arith.constant 0 : index
    %swap3A_121 = vector.load %arg7[%swap3A, %swap3A_118, %swap3A_119, %swap3A_120] : memref<1x2x3x512xf32, #tpu.memory_space<vmem>>, vector<1x1x3x512xf32>
    %swap3A_122 = vector.shape_cast %swap3A_121 : vector<1x1x3x512xf32> to vector<3x512xf32>
    %swap3A_123 = vector.shape_cast %logistic3A_117 : vector<3x512xf32> to vector<1x1x3x512xf32>
    tpu.vector_store %arg7[%swap3A, %swap3A_118, %swap3A_119, %swap3A_120], %swap3A_123 {strides = array<i32>} : memref<1x2x3x512xf32, #tpu.memory_space<vmem>>, vector<1x1x3x512xf32>,
    %slice3A_124 = vector.extract_strided_slice %get3A_13 {offsets = [0, 0], sizes = [32, 255], strides = [1, 1]} : vector<32x256xf32> to vector<32x255xf32>
    %concatenate3A_125 = tpu.concatenate %broadcast_in_dim3A_26, %slice3A_124 in 1 : vector<32x1xf32>, vector<32x255xf32> -> vector<32x256xf32>
    %slice3A_126 = vector.extract_strided_slice %mul3A_25 {offsets = [0, 0], sizes = [32, 255], strides = [1, 1]} : vector<32x256xf32> to vector<32x255xf32>
    %concatenate3A_127 = tpu.concatenate %broadcast_in_dim3A_26, %slice3A_126 in 1 : vector<32x1xf32>, vector<32x255xf32> -> vector<32x256xf32>
    %concatenate3A_128 = tpu.concatenate %concatenate3A_125, %get3A_13, %concatenate3A_127, %mul3A_25 in 0 : vector<32x256xf32>, vector<32x256xf32>, vector<32x256xf32>, vector<32x256xf32> -> vector<128x256xf32>
    %get3A_129 = arith.constant 1 : index
    %get3A_130 = arith.constant 0 : index
    %get3A_131 = arith.constant 0 : index
    %get3A_132 = arith.constant 0 : index
    %get3A_133 = vector.load %arg5[%get3A_129, %get3A_130, %get3A_131, %get3A_132] : memref<2x2x3x128xf32, #tpu.memory_space<vmem>>, vector<1x1x3x128xf32>
    %get3A_134 = vector.shape_cast %get3A_133 : vector<1x1x3x128xf32> to vector<3x128xf32>
    %dot_general3A_135 = arith.constant dense<0.000000e+00> : vector<3x256xf32>
    %dot_general3A_136 = tpu.matmul %get3A_134, %concatenate3A_128, %dot_general3A_135 {dimension_numbers = #tpu.dot_dimension_numbers<[1], [0], [0], [1], [0, 0, 1, 1], [], []>, transpose_lhs_hint = false} : vector<3x128xf32>, vector<128x256xf32>, vector<3x256xf32> -> vector<3x256xf32>
    %slice3A_137 = vector.extract_strided_slice %get3A_13 {offsets = [0, 1], sizes = [32, 255], strides = [1, 1]} : vector<32x256xf32> to vector<32x255xf32>
    %concatenate3A_138 = tpu.concatenate %slice3A_137, %broadcast_in_dim3A_26 in 1 : vector<32x255xf32>, vector<32x1xf32> -> vector<32x256xf32>
    %slice3A_139 = vector.extract_strided_slice %mul3A_25 {offsets = [0, 1], sizes = [32, 255], strides = [1, 1]} : vector<32x256xf32> to vector<32x255xf32>
    %concatenate3A_140 = tpu.concatenate %slice3A_139, %broadcast_in_dim3A_26 in 1 : vector<32x255xf32>, vector<32x1xf32> -> vector<32x256xf32>
    %concatenate3A_141 = tpu.concatenate %get3A_13, %concatenate3A_138, %mul3A_25, %concatenate3A_140 in 0 : vector<32x256xf32>, vector<32x256xf32>, vector<32x256xf32>, vector<32x256xf32> -> vector<128x256xf32>
    %get3A_142 = arith.constant 1 : index
    %get3A_143 = arith.constant 1 : index
    %get3A_144 = arith.constant 0 : index
    %get3A_145 = arith.constant 0 : index
    %get3A_146 = vector.load %arg5[%get3A_142, %get3A_143, %get3A_144, %get3A_145] : memref<2x2x3x128xf32, #tpu.memory_space<vmem>>, vector<1x1x3x128xf32>
    %get3A_147 = vector.shape_cast %get3A_146 : vector<1x1x3x128xf32> to vector<3x128xf32>
    %dot_general3A_148 = arith.constant dense<0.000000e+00> : vector<3x256xf32>
    %dot_general3A_149 = tpu.matmul %get3A_147, %concatenate3A_141, %dot_general3A_148 {dimension_numbers = #tpu.dot_dimension_numbers<[1], [0], [0], [1], [0, 0, 1, 1], [], []>, transpose_lhs_hint = false} : vector<3x128xf32>, vector<128x256xf32>, vector<3x256xf32> -> vector<3x256xf32>
    %iota3A_150 = tpu.iota {dimensions = array<i32: 1>} : vector<3x128xi32>
    %shift_right_arithmetic3A_151 = arith.constant 1 : i32
    %shift_right_arithmetic3A_152 = vector.broadcast %shift_right_arithmetic3A_151 : i32 to vector<3x128xi32>
    %shift_right_arithmetic3A_153 = arith.shrsi %iota3A_150, %shift_right_arithmetic3A_152 : vector<3x128xi32>
    %and3A_154 = arith.constant 1 : i32
    %and3A_155 = vector.broadcast %and3A_154 : i32 to vector<3x128xi32>
    %and3A_156 = arith.andi %iota3A_150, %and3A_155 : vector<3x128xi32>
    %mul3A_157 = arith.constant 64 : i32
    %mul3A_158 = vector.broadcast %mul3A_157 : i32 to vector<3x128xi32>
    %mul3A_159 = arith.muli %and3A_156, %mul3A_158 : vector<3x128xi32>
    %add3A_160 = arith.addi %shift_right_arithmetic3A_153, %mul3A_159 : vector<3x128xi32>
    %slice3A_161 = vector.extract_strided_slice %dot_general3A_136 {offsets = [0, 0], sizes = [3, 64], strides = [1, 1]} : vector<3x256xf32> to vector<3x64xf32>
    %slice3A_162 = vector.extract_strided_slice %dot_general3A_149 {offsets = [0, 0], sizes = [3, 64], strides = [1, 1]} : vector<3x256xf32> to vector<3x64xf32>
    %concatenate3A_163 = tpu.concatenate %slice3A_161, %slice3A_162 in 1 : vector<3x64xf32>, vector<3x64xf32> -> vector<3x128xf32>
    %lt3A_164 = arith.constant 0 : i32
    %lt3A_165 = vector.broadcast %lt3A_164 : i32 to vector<3x128xi32>
    %lt3A_166 = arith.cmpi slt, %add3A_160, %lt3A_165 : vector<3x128xi32>
    %add3A_167 = arith.constant 128 : i32
    %add3A_168 = vector.broadcast %add3A_167 : i32 to vector<3x128xi32>
    %add3A_169 = arith.addi %add3A_160, %add3A_168 : vector<3x128xi32>
    %select_n3A_170 = arith.select %lt3A_166, %add3A_169, %add3A_160 : vector<3x128xi1>, vector<3x128xi32>
    %reshape3A_171 = vector.shape_cast %select_n3A_170 : vector<3x128xi32> to vector<3x128x1xi32>
    %gather3A_172 = vector.shape_cast %reshape3A_171 : vector<3x128x1xi32> to vector<3x128xi32>
    %gather3A_173 = tpu.dynamic_gather %concatenate3A_163[%gather3A_172] in [1] : vector<3x128xf32>, vector<3x128xi32> -> vector<3x128xf32>
    %slice3A_174 = vector.extract_strided_slice %dot_general3A_136 {offsets = [0, 64], sizes = [3, 64], strides = [1, 1]} : vector<3x256xf32> to vector<3x64xf32>
    %slice3A_175 = vector.extract_strided_slice %dot_general3A_149 {offsets = [0, 64], sizes = [3, 64], strides = [1, 1]} : vector<3x256xf32> to vector<3x64xf32>
    %concatenate3A_176 = tpu.concatenate %slice3A_174, %slice3A_175 in 1 : vector<3x64xf32>, vector<3x64xf32> -> vector<3x128xf32>
    %lt3A_177 = arith.constant 0 : i32
    %lt3A_178 = vector.broadcast %lt3A_177 : i32 to vector<3x128xi32>
    %lt3A_179 = arith.cmpi slt, %add3A_160, %lt3A_178 : vector<3x128xi32>
    %add3A_180 = arith.constant 128 : i32
    %add3A_181 = vector.broadcast %add3A_180 : i32 to vector<3x128xi32>
    %add3A_182 = arith.addi %add3A_160, %add3A_181 : vector<3x128xi32>
    %select_n3A_183 = arith.select %lt3A_179, %add3A_182, %add3A_160 : vector<3x128xi1>, vector<3x128xi32>
    %reshape3A_184 = vector.shape_cast %select_n3A_183 : vector<3x128xi32> to vector<3x128x1xi32>
    %gather3A_185 = vector.shape_cast %reshape3A_184 : vector<3x128x1xi32> to vector<3x128xi32>
    %gather3A_186 = tpu.dynamic_gather %concatenate3A_176[%gather3A_185] in [1] : vector<3x128xf32>, vector<3x128xi32> -> vector<3x128xf32>
    %slice3A_187 = vector.extract_strided_slice %dot_general3A_136 {offsets = [0, 128], sizes = [3, 64], strides = [1, 1]} : vector<3x256xf32> to vector<3x64xf32>
    %slice3A_188 = vector.extract_strided_slice %dot_general3A_149 {offsets = [0, 128], sizes = [3, 64], strides = [1, 1]} : vector<3x256xf32> to vector<3x64xf32>
    %concatenate3A_189 = tpu.concatenate %slice3A_187, %slice3A_188 in 1 : vector<3x64xf32>, vector<3x64xf32> -> vector<3x128xf32>
    %lt3A_190 = arith.constant 0 : i32
    %lt3A_191 = vector.broadcast %lt3A_190 : i32 to vector<3x128xi32>
    %lt3A_192 = arith.cmpi slt, %add3A_160, %lt3A_191 : vector<3x128xi32>
    %add3A_193 = arith.constant 128 : i32
    %add3A_194 = vector.broadcast %add3A_193 : i32 to vector<3x128xi32>
    %add3A_195 = arith.addi %add3A_160, %add3A_194 : vector<3x128xi32>
    %select_n3A_196 = arith.select %lt3A_192, %add3A_195, %add3A_160 : vector<3x128xi1>, vector<3x128xi32>
    %reshape3A_197 = vector.shape_cast %select_n3A_196 : vector<3x128xi32> to vector<3x128x1xi32>
    %gather3A_198 = vector.shape_cast %reshape3A_197 : vector<3x128x1xi32> to vector<3x128xi32>
    %gather3A_199 = tpu.dynamic_gather %concatenate3A_189[%gather3A_198] in [1] : vector<3x128xf32>, vector<3x128xi32> -> vector<3x128xf32>
    %slice3A_200 = vector.extract_strided_slice %dot_general3A_136 {offsets = [0, 192], sizes = [3, 64], strides = [1, 1]} : vector<3x256xf32> to vector<3x64xf32>
    %slice3A_201 = vector.extract_strided_slice %dot_general3A_149 {offsets = [0, 192], sizes = [3, 64], strides = [1, 1]} : vector<3x256xf32> to vector<3x64xf32>
    %concatenate3A_202 = tpu.concatenate %slice3A_200, %slice3A_201 in 1 : vector<3x64xf32>, vector<3x64xf32> -> vector<3x128xf32>
    %lt3A_203 = arith.constant 0 : i32
    %lt3A_204 = vector.broadcast %lt3A_203 : i32 to vector<3x128xi32>
    %lt3A_205 = arith.cmpi slt, %add3A_160, %lt3A_204 : vector<3x128xi32>
    %add3A_206 = arith.constant 128 : i32
    %add3A_207 = vector.broadcast %add3A_206 : i32 to vector<3x128xi32>
    %add3A_208 = arith.addi %add3A_160, %add3A_207 : vector<3x128xi32>
    %select_n3A_209 = arith.select %lt3A_205, %add3A_208, %add3A_160 : vector<3x128xi1>, vector<3x128xi32>
    %reshape3A_210 = vector.shape_cast %select_n3A_209 : vector<3x128xi32> to vector<3x128x1xi32>
    %gather3A_211 = vector.shape_cast %reshape3A_210 : vector<3x128x1xi32> to vector<3x128xi32>
    %gather3A_212 = tpu.dynamic_gather %concatenate3A_202[%gather3A_211] in [1] : vector<3x128xf32>, vector<3x128xi32> -> vector<3x128xf32>
    %concatenate3A_213 = tpu.concatenate %gather3A_173, %gather3A_186, %gather3A_199, %gather3A_212 in 1 : vector<3x128xf32>, vector<3x128xf32>, vector<3x128xf32>, vector<3x128xf32> -> vector<3x512xf32>
    %add3A_214 = vector.broadcast %get3A_29 : vector<3x1xf32> to vector<3x512xf32>
    %add3A_215 = arith.addf %concatenate3A_213, %add3A_214 : vector<3x512xf32>
    %logistic3A_216 = arith.negf %add3A_215 : vector<3x512xf32>
    %logistic3A_217 = math.exp %logistic3A_216 : vector<3x512xf32>
    %logistic3A_218 = arith.constant 1.000000e+00 : f32
    %logistic3A_219 = vector.broadcast %logistic3A_218 : f32 to vector<3x512xf32>
    %logistic3A_220 = arith.addf %logistic3A_219, %logistic3A_217 : vector<3x512xf32>
    %logistic3A_221 = arith.divf %logistic3A_219, %logistic3A_220 : vector<3x512xf32>
    %swap3A_222 = arith.constant 0 : index
    %swap3A_223 = arith.constant 1 : index
    %swap3A_224 = arith.constant 0 : index
    %swap3A_225 = arith.constant 0 : index
    %swap3A_226 = vector.load %arg7[%swap3A_222, %swap3A_223, %swap3A_224, %swap3A_225] : memref<1x2x3x512xf32, #tpu.memory_space<vmem>>, vector<1x1x3x512xf32>
    %swap3A_227 = vector.shape_cast %swap3A_226 : vector<1x1x3x512xf32> to vector<3x512xf32>
    %swap3A_228 = vector.shape_cast %logistic3A_221 : vector<3x512xf32> to vector<1x1x3x512xf32>
    tpu.vector_store %arg7[%swap3A_222, %swap3A_223, %swap3A_224, %swap3A_225], %swap3A_228 {strides = array<i32>} : memref<1x2x3x512xf32, #tpu.memory_space<vmem>>, vector<1x1x3x512xf32>,
    return
  }
  func.func @transform_0(%arg0: i32, %arg1: i32) -> (i32, i32, i32, i32) {
    %sub3A = arith.constant 1 : i32
    %sub3A_0 = arith.subi %arg1, %sub3A : i32
    %max3A = arith.constant 0 : i32
    %max3A_1 = arith.maxsi %sub3A_0, %max3A : i32
    %c0_i32 = arith.constant 0 : i32
    %c0_i32_2 = arith.constant 0 : i32
    %c0_i32_3 = arith.constant 0 : i32
    return %arg0, %max3A_1, %c0_i32, %c0_i32_2 : i32, i32, i32, i32
  }
  func.func @transform_1(%arg0: i32, %arg1: i32) -> (i32, i32, i32, i32) {
    %c0_i32 = arith.constant 0 : i32
    %c0_i32_0 = arith.constant 0 : i32
    %c0_i32_1 = arith.constant 0 : i32
    return %arg0, %arg1, %c0_i32, %c0_i32_0 : i32, i32, i32, i32
  }
  func.func @transform_2(%arg0: i32, %arg1: i32) -> (i32, i32, i32, i32) {
    %add3A = arith.constant 1 : i32
    %add3A_0 = arith.addi %arg1, %add3A : i32
    %min3A = arith.constant 255 : i32
    %min3A_1 = arith.minsi %add3A_0, %min3A : i32
    %c0_i32 = arith.constant 0 : i32
    %c0_i32_2 = arith.constant 0 : i32
    %c0_i32_3 = arith.constant 0 : i32
    return %arg0, %min3A_1, %c0_i32, %c0_i32_2 : i32, i32, i32, i32
  }
  func.func @transform_3(%arg0: i32, %arg1: i32) -> (i32, i32, i32, i32) {
    %c0_i32 = arith.constant 0 : i32
    %c0_i32_0 = arith.constant 0 : i32
    %c0_i32_1 = arith.constant 0 : i32
    %c0_i32_2 = arith.constant 0 : i32
    %c0_i32_3 = arith.constant 0 : i32
    return %c0_i32, %c0_i32_0, %c0_i32_1, %c0_i32_2 : i32, i32, i32, i32
  }
  func.func @transform_4(%arg0: i32, %arg1: i32) -> (i32, i32) {
    %c0_i32 = arith.constant 0 : i32
    %c0_i32_0 = arith.constant 0 : i32
    %c0_i32_1 = arith.constant 0 : i32
    return %c0_i32, %c0_i32_0 : i32, i32
  }
  func.func @transform_5(%arg0: i32, %arg1: i32) -> (i32, i32, i32, i32) {
    %c0_i32 = arith.constant 0 : i32
    %c0_i32_0 = arith.constant 0 : i32
    %c0_i32_1 = arith.constant 0 : i32
    return %arg0, %arg1, %c0_i32, %c0_i32_0 : i32, i32, i32, i32
  }
}

</mosaic_0001>

<sc_bundles>
// kernel: kernel.7.cloned.1.call-start
scs
__scs_entry_jumppad:
0x0: {  	(pc) =	sbr.rel $0x88, $3  }
0x1: {  	(tag) =	ssettag $0x0;
	lr =	simm.s32 $0x1  }
0x2: {  	[smem:$0x3F93] =	sst lr;
	_ =	strace $0xD0000000  }
0x3: {  	_ = 	snop  }
0x4: {  	_ = 	snop  }
0x5: {  	_ = 	snop  }
0x6: {  	_ = 	snop  }
0x7: {  	_ = 	snop  }
__scs_overlays_trampoline_lowered:
0x8: {  	[smem:$0x3FA2] =	sst s0  }
0x9: {  	[smem:$0x3FA3] =	sst s1  }
0xa: {  	[smem:$0x3FA4] =	sst s2  }
0xb: {  	[smem:$0x3FA5] =	sst s3  }
0xc: {  	[smem:$0x3FA6] =	sst s4  }
0xd: {  	[smem:$0x3FA7] =	sst s5  }
0xe: {  	[smem:$0x3FA8] =	sst s6  }
0xf: {  	[smem:$0x3FA9] =	sst s7  }
0x10: {  	[smem:$0x3FAA] =	sst s8  }
0x11: {  	[smem:$0x3FAB] =	sst s9;
	s0 =	simm.s32 @!p0 $0x0  }
0x12: {  	s1 =	sld [smem:$0x3F91];
	s0 =	simm.s32 @p0 $0x1  }
0x13: {  	[smem:$0x3FAC] =	sst s0;
	s0 =	simm.s32 @!p1 $0x0  }
0x14: {  	s2 =	sld [smem:$0x3F90];
	s0 =	simm.s32 @p1 $0x1  }
0x15: {  	[smem:$0x3FAD] =	sst s0;
	s0 =	simm.s32 @!p2 $0x0  }
0x16: {  	s3 =	sld [smem:$0x3FDB];
	s0 =	simm.s32 @p2 $0x1  }
0x17: {  	s4 =	simm.s32 $0x1BF5;
	[smem:$0x3FAF] =	sst s0  }
0x18: {  	s0 =	sld [smem:$0x3F92];
	_ =	swait.ge [sflag:s4], $0x0  }
0x19: {  	s7 =	sld [smem:$0x3F93]  }
0x1a: {  	s8 =	sadd.s32 $0xFFFFE003, lr  }
0x1b: {  	s9 =	sadd.s32 $0xFFFFFEF7, lr;
	s5 =	simm.s32 $0xFFFFFFFF;
	p2 =	slt.u32 s8, $0xFFFFF086  }
0x1c: {  	p1 =	slt.u32 s9, $0xF7A;
	s5 =	simm.s32 @!p2 $0x0  }
0x1d: {  	s5 =	simm.s32 @p1 $0x1;
	p0 =	seq.s32 s7, s2  }
0x1e: {  	s7 =	smul.u32 @!p0 $0xF7A, s2;
	p2 =	seq.s32 @!p0 s5, $0x0  }
0x1f: {  	s9 =	smul.u32 $0xF7A, s1;
	s8 =	simm.s32 @!p0 $0x1BF5;
	p2 =	por !p2, p0  }
0x20: {  	[sflag:s8] =	ssyncset.s32 @!p0 $0xFFFFF086;
	s6 =	sadd.s32 @!p0 s3, s7;
	s7 =	simm.s32 @!p0 $0x108  }
0x21: {  	s3 =	sadd.s32 s3, s9;
	s6 =	sadd.s32 @!p0 $0x88, s6;
	s7 =	simm.s32 @p2 $0x1082  }
0x22: {  	[simem:s7], [sflag:s8] =	dma.local @!p0 [hbm:s6], $0xF7A  }
0x23: {  	s9 =	sor.u32 $0xD0000000, s2;
	s6 =	simm.s32 $0x108;
	_ =	swait.ge @!p0 [sflag:s8], $0x0  }
0x24: {  	s3 =	sadd.s32 $0x88, s3;
	s6 =	simm.s32 @!p1 $0x1082;
	[sflag:s4] =	ssyncset.s32 $0xFFFFF086  }
0x25: {  	[simem:s6], [sflag:s4] =	dma.local [hbm:s3], $0xF7A  }
0x26: {  	[smem:$0x3F93] =	sst s1;
	(tag) =	ssettag s2;
	_ =	strace s9  }
0x27: {  	s1 =	sld [smem:$0x3FA3]  }
0x28: {  	s2 =	sld [smem:$0x3FA4]  }
0x29: {  	s4 =	sld [smem:$0x3FA6]  }
0x2a: {  	p0 =	seq.s32 s5, $0x0;
	s5 =	sld [smem:$0x3FA7]  }
0x2b: {  	s6 =	sld [smem:$0x3FA8]  }
0x2c: {  	s7 =	sld [smem:$0x3FA9]  }
0x2d: {  	s3 =	simm.s32 $0x108;
	s8 =	sld [smem:$0x3FAA]  }
0x2e: {  	s3 =	simm.s32 @!p0 $0x1082;
	s9 =	sld [smem:$0x3FAB]  }
0x2f: {  	lr =	sadd.s32 s0, s3;
	s0 =	sld [smem:$0x3FA2]  }
0x30: {  	s3 =	sld [smem:$0x3FA5]  }
0x31: {  	[smem:$0x3FAE] =	sst s10  }
0x32: {  	s10 =	sld [smem:$0x3FAC];
	_ =	sdelay $0x3  }
0x33: {  	p0 =	seq.s32 s10, $0x1;
	s10 =	sld [smem:$0x3FAE];
	_ =	sdelay $0x3  }
0x34: {  	[smem:$0x3FAE] =	sst s10  }
0x35: {  	s10 =	sld [smem:$0x3FAD];
	_ =	sdelay $0x3  }
0x36: {  	p1 =	seq.s32 s10, $0x1;
	s10 =	sld [smem:$0x3FAE];
	_ =	sdelay $0x3  }
0x37: {  	[smem:$0x3FAE] =	sst s10  }
0x38: {  	s10 =	sld [smem:$0x3FAF]  }
0x39: {  	_ = 	snop;
	(pc) =	sbr.ind lr, $3  }
0x3a: {  	_ = 	snop  }
0x3b: {  	_ = 	snop  }
0x3c: {  	p2 =	seq.s32 s10, $0x1;
	s10 =	sld [smem:$0x3FAE]  }
0x3d: {  	_ =	shalt  }
0x3e: {  	_ =	shalt  }
0x3f: {  	_ =	shalt  }
0x40: {  	_ =	shalt  }
0x41: {  	_ =	shalt  }
0x42: {  	_ =	shalt  }
0x43: {  	_ =	shalt  }
0x44: {  	_ =	shalt  }
0x45: {  	_ =	shalt  }
0x46: {  	_ =	shalt  }
0x47: {  	_ =	shalt  }
0x48: {  	_ =	shalt  }
0x49: {  	_ =	shalt  }
0x4a: {  	_ =	shalt  }
0x4b: {  	_ =	shalt  }
0x4c: {  	_ =	shalt  }
0x4d: {  	_ =	shalt  }
0x4e: {  	_ =	shalt  }
0x4f: {  	_ =	shalt  }
0x50: {  	_ =	shalt  }
0x51: {  	_ =	shalt  }
0x52: {  	_ =	shalt  }
0x53: {  	_ =	shalt  }
0x54: {  	_ =	shalt  }
0x55: {  	_ =	shalt  }
0x56: {  	_ =	shalt  }
0x57: {  	_ =	shalt  }
0x58: {  	_ =	shalt  }
0x59: {  	_ =	shalt  }
0x5a: {  	_ =	shalt  }
0x5b: {  	_ =	shalt  }
0x5c: {  	_ =	shalt  }
0x5d: {  	_ =	shalt  }
0x5e: {  	_ =	shalt  }
0x5f: {  	_ =	shalt  }
0x60: {  	_ =	shalt  }
0x61: {  	_ =	shalt  }
0x62: {  	_ =	shalt  }
0x63: {  	_ =	shalt  }
0x64: {  	_ =	shalt  }
0x65: {  	_ =	shalt  }
0x66: {  	_ =	shalt  }
0x67: {  	_ =	shalt  }
0x68: {  	_ =	shalt  }
0x69: {  	_ =	shalt  }
0x6a: {  	_ =	shalt  }
0x6b: {  	_ =	shalt  }
0x6c: {  	_ =	shalt  }
0x6d: {  	_ =	shalt  }
0x6e: {  	_ =	shalt  }
0x6f: {  	_ =	shalt  }
0x70: {  	_ =	shalt  }
0x71: {  	_ =	shalt  }
0x72: {  	_ =	shalt  }
0x73: {  	_ =	shalt  }
0x74: {  	_ =	shalt  }
0x75: {  	_ =	shalt  }
0x76: {  	_ =	shalt  }
0x77: {  	_ =	shalt  }
0x78: {  	_ =	shalt  }
0x79: {  	_ =	shalt  }
0x7a: {  	_ =	shalt  }
0x7b: {  	_ =	shalt  }
0x7c: {  	_ =	shalt  }
0x7d: {  	_ =	shalt  }
0x7e: {  	_ =	shalt  }
0x7f: {  	_ =	shalt  }
0x80: {  	_ =	shalt  }
0x81: {  	_ =	shalt  }
0x82: {  	_ =	shalt  }
0x83: {  	_ =	shalt  }
0x84: {  	_ =	shalt  }
0x85: {  	_ =	shalt  }
0x86: {  	_ =	shalt  }
0x87: {  	_ =	shalt  }
.Lfunc_end0:
.L_simem_size_0:
called_computation_lowered:
.L_overlay_start_0:
0x88: {  	s2 =	sld [smem:$0x3FD9]  }
0x89: {  	s3 =	sld [smem:$0x3FFE];
	_ =	sdelay $0x1  }
0x8a: {  	s1 =	srdreg.scid  }
0x8b: {  	s0 =	sand.u32 $0x1, s1  }
0x8c: {  	s17 =	sshll.u32 s0, $0xA;
	s2 =	sadd.s32 s3, s2  }
0x8d: {  	s2 =	sadd.s32 s2, s17  }
0x8e: {  	[smem:$0x3FBA] =	sst s2  }
0x8f: {  	_ = 	snop  }
0x90: {  	s2 =	sld [smem:$0x3FD0];
	(tm) =	ssettm $0x1  }
0x91: {  	s18 =	sld [smem:$0x3FFB];
	_ =	sdelay $0x3  }
0x92: {  	_ =	strace s18  }
0x93: {  	s3 =	sld [smem:$0x3FFC];
	_ =	sdelay $0x3  }
0x94: {  	_ =	strace s3  }
0x95: {  	s3 =	sld [smem:$0x3FFD];
	_ =	sdelay $0x3  }
0x96: {  	_ =	strace s3  }
0x97: {  	_ =	strace $0x8FFFFFFF  }
0x98: {  	s19 =	sld [smem:$0x3FDB];
	_ =	sdelay $0x1  }
0x99: {  	s4 =	simm.s32 $_scs_section_size  }
0x9a: {  	s5 =	simm.s32 $_size__tile_overlayer_lowered;
	s6 =	simm.s32 $_tile_overlayer_lowered  }
0x9b: {  	s22 =	simm.s32 $0x1BFF;
	s21 =	sshll.u32 s6, $0x1;
	s3 =	sadd.s32 s4, s19  }
0x9c: {  	s7 =	simm.s32 $0x0;
	s20 =	sshll.u32 s5, $0x1;
	s5 =	sadd.s32 s21, s3  }
0x9d: {  	[timem:s7], [sflag:s22] =	dma.local [hbm:s5], s20  }
0x9e: {  	_ =	swait.ge [sflag:s22], s20  }
0x9f: {  	s4 =	ssub.s32 $0x0, s20;
	[sflag:s22] =	ssyncset.done $0x0  }
0xa0: {  	[sflag:s22] =	ssyncadd.s32 s4;
	_ =	sdelay $0x1  }
0xa1: {  	s23 =	simm.s32 $0x1B8B  }
0xa2: {  	_ =	swait.ge [sflag:s23], $0x1  }
0xa3: {  	[sflag:s23] =	ssyncset.done $0x0  }
0xa4: {  	s25 =	simm.s32 $0x1B8E;
	s24 =	sld [smem:$0x3FFE];
	[sflag:s23] =	ssyncadd.s32 $0xFFFFFFFF  }
0xa5: {  	s26 =	simm.s32 $execute0_lowered;
	[smem:$0x3FD2] =	sst s25  }
0xa6: {  	s5 =	sshll.u32 s26, $0x1;
	_ =	strace $0x80000046;
	[dreg:$0x1] =	wrdreg $0xFFFFFFFF  }
0xa7: {  	s28 =	simm.s32 $_size_execute0_lowered;
	s3 =	sadd.s32 s3, s5;
	[dreg:$0x0] =	wrdreg $0x0  }
0xa8: {  	s5 =	sshll.u32 s28, $0x1;
	[dreg:$0x2] =	wrdreg s3  }
0xa9: {  	[dreg:$0x3] =	wrdreg s5  }
0xaa: {  	[dreg:$0x4] =	wrdreg $0xC0  }
0xab: {  	_ =	task [dreg:s7], $0x5FFFF  }
0xac: {  	[dreg:$0x1] =	wrdreg $0xFFFFFFFF  }
0xad: {  	[dreg:$0x0] =	wrdreg $0x60  }
0xae: {  	[dreg:$0x2] =	wrdreg s2  }
0xaf: {  	[dreg:$0x3] =	wrdreg s24  }
0xb0: {  	[dreg:$0x4] =	wrdreg $0x9  }
0xb1: {  	_ =	task.clear_ibuf [dreg:s7], $0x5FFFF;
	_ =	strace $0x90000046  }
0xb2: {  	s29 =	simm.s32 $0x9;
	_ =	strace $0x80000048  }
0xb3: {  	_ =	swait.ge [sflag:s29], $0x1  }
0xb4: {  	[sflag:s29] =	ssyncadd.s32 $0xFFFFFFFF  }
0xb5: {  	_ =	strace $0x90000048  }
0xb6: {  	_ =	sfence  }
0xb7: {  	s30 =	sld [smem:$0x0];
	_ =	sdelay $0x2  }
0xb8: {  	s31 =	sshll.u32 s1, $0xD;
	s1 =	sshrl.u32 s1, $0x2  }
0xb9: {  	s3 =	sand.u32 $0x4000, s31;
	s1 =	sadd.s32 s1, s30  }
0xba: {  	s0 =	sor.u32 s3, s0;
	s1 =	sshll.u32 s1, $0x11  }
0xbb: {  	s0 =	sor.u32 s1, s0  }
0xbc: {  	s0 =	sadd.s32 $0x8F2B, s0  }
0xbd: {  	[sflag:s0] =	ssyncadd.remote.s32 $0x1  }
0xbe: {  	_ =	sfence.sel $0xFFFF  }
0xbf: {  	[dreg:$0x0] =	wrdreg $0xFFFFFFFF;
	(pc) =	sbr.abs _section_cstart, $3  }
0xc0: {  	[dreg:$0x1] =	wrdreg $0xFFFFFFFF  }
0xc1: {  	_ =	task.clear_ibuf [dreg:s7], $0x2FFFF;
	_ =	strace $0x9FFFFFFF  }
0xc2: {  	(tm) =	ssettm $0x7FFFFFFF  }
0xc3: {  	_ =	shalt  }
tec
execute0_lowered:
.L_overlay_start_1:
0x0: {  	(tag) =	ssettag $0x1  }
0x1: {  	s1 =	srdreg.scid  }
0x2: {  	s0 =	stileid.u32;
	s6 =	sand.u32 $0x1, s1  }
0x3: {  	s2 =	rddreg [dreg:$0x0];
	s30 =	sshll.u32 s0, $0x9;
	s3 =	sshll.u32 s6, $0x8  }
0x4: {  	s8 =	rddreg [dreg:$0x1];
	s7 =	simm.s32 $0x1;
	s9 =	sor.u32 s3, s30  }
0x5: {  	s1 =	rddreg [dreg:$0x2];
	s3 =	simm.s32 $0x0;
	s4 =	sshrl.u32 s9, $0x3  }
0x6: {  	s10 =	ssub.s32 $0x2, s6;
	[smem:$0x7FF] =	sst s3;
	s4 =	sadd.s32 s4, s8  }
0x7: {  	_ =	strace $0x80000047;
	s5 =	sadd.s32 $0x4200, s4;
	s4 =	simm.s32 $0x2  }
0x8: {  	[tilespmem:s3], [sflag:$0x2] =	stream.linear.gather [hbm4b:s5+s3], $0x100, $0x38;
	[tilespmem:$0x2100] =	vst v63  }
0x9: {  	s6 =	simm.s32 $0x100;
	s11 =	sshrl.u32 s10, $0x1;
	_ =	swait.ge [sflag:s4], $0x100  }
0xa: {  	s9 =	sshll.u32 s9, $0x2;
	s31 =	ssub.s32 s10, s11;
	[sflag:s4] =	ssyncset.done $0x0  }
0xb: {  	s8 =	sadd.s32 s9, s8;
	s9 =	smax.u32 s31, $0x1;
	[sflag:s4] =	ssyncadd.s32 $0xFFFFFF00  }
0xc: {  	[tilespmem:s6], [sflag:$0x1] =	stream.indirect.gather [hbm4b:s2+s6], $0x20, s3, s6, $0xb8;
	[tilespmem:$0x2100] =	vst v63  }
0xd: {  	p0 =	sne.s32 s9, $0x1;
	_ =	swait.ge [sflag:s7], $0x2000  }
.Ltmp0:
0xe: {  	[sflag:s7] =	ssyncset.done $0x0;
	(pc) =	sbr.rel @!p0 .LBB2_2-.Ltmp0, $4  }
0xf: {  	s8 =	sadd.s32 $0x4600, s8;
	[sflag:s7] =	ssyncadd.s32 $0xFFFFE000  }
0x10: {  	[hbm4b:s8+s3] =	stream.linear.scatter [tilespmem:s6], [sflag:$0x2], $0x2000, $0x38;
	[tilespmem:$0x2100] =	vst v63  }
0x11: {  	_ =	swait.ge [sflag:s4], $0x2000  }
0x12: {  	s9 =	sadd.s32 $0xFFFFFFFF, s9;
	[sflag:s4] =	ssyncset.done $0x0  }
.LBB2_1:
0x13: {  	p0 =	sne.s32 s9, $0x1;
	s9 =	sadd.s32 $0xFFFFFFFF, s9;
	[sflag:s4] =	ssyncadd.s32 $0xFFFFE000  }
0x14: {  	[tilespmem:s3], [sflag:$0x2] =	stream.linear.gather [hbm4b:s5+s3], $0x100, $0x38;
	[tilespmem:$0x2100] =	vst v63  }
0x15: {  	_ =	swait.ge [sflag:s4], $0x100  }
0x16: {  	[sflag:s4] =	ssyncset.done $0x0  }
0x17: {  	[sflag:s4] =	ssyncadd.s32 $0xFFFFFF00  }
0x18: {  	[tilespmem:s6], [sflag:$0x1] =	stream.indirect.gather [hbm4b:s2+s6], $0x20, s3, s6, $0xb8;
	[tilespmem:$0x2100] =	vst v63  }
0x19: {  	_ =	swait.ge [sflag:s7], $0x2000  }
.Ltmp1:
0x1a: {  	[sflag:s7] =	ssyncset.done $0x0;
	(pc) =	sbr.rel @p0 .LBB2_1-.Ltmp1, $4  }
0x1b: {  	[sflag:s7] =	ssyncadd.s32 $0xFFFFE000  }
0x1c: {  	[hbm4b:s8+s3] =	stream.linear.scatter [tilespmem:s6], [sflag:$0x2], $0x2000, $0x38;
	[tilespmem:$0x2100] =	vst v63  }
0x1d: {  	_ =	swait.ge [sflag:s4], $0x2000  }
0x1e: {  	[sflag:s4] =	ssyncset.done $0x0  }
.LBB2_2:
0x1f: {  	[sflag:s4] =	ssyncadd.s32 $0xFFFFE000  }
0x20: {  	_ =	sfence.sel $0x180000  }
0x21: {  	[bflag:$0x0] =	sbarrier.arrive $0xFFFF  }
0x22: {  	p0 =	sne.s32 s0, $0x0;
	_ =	strace $0x90000047  }
0x23: {  	s0 =	sadd.s32 @!p0 $0x100000, s1;
	[bflag:$0x2] =	sbarrier.arrive $0xFFFF  }
0x24: {  	[sflag:s0] =	ssyncadd.tile.s32 @!p0 $0x1;
	_ =	shalt  }
.Lfunc_end2:
_tile_overlayer_lowered:
.L_overlay_start_2:
0x25: {  	(tag) =	ssettag $0x2  }
0x26: {  	s0 =	rddreg [dreg:$0x0];
	s2 =	stileid.u32  }
0x27: {  	s1 =	rddreg [dreg:$0x1];
	p0 =	sne.s32 s2, $0x0  }
0x28: {  	s3 =	rddreg [dreg:$0x2];
	[bflag:$0x3] =	sbarrier.arrive $0xFFFF;
	s2 =	simm.s32 @!p0 $0x1C02  }
0x29: {  	[timem:s3], [sflag:s2] =	dma.local @!p0 [hbm:s0], s1  }
0x2a: {  	s0 =	simm.s32 @!p0 $0x2  }
0x2b: {  	_ =	swait.ge @!p0 [sflag:s0], s1  }
0x2c: {  	s1 =	ssub.s32 @!p0 $0x0, s1;
	[sflag:s0] =	ssyncset.done @!p0 $0x0  }
0x2d: {  	[sflag:s0] =	ssyncadd.s32 @!p0 s1  }
0x2e: {  	[bflag:$0x3] =	sbarrier.arrive $0xFFFF  }
0x2f: {  	_ =	shalt  }

</sc_bundles>
